<compile_context>
chip_gen: v7x
topology: tpu7x:2x2x1
jax: 0.10.2.dev20260603
libtpu: 0.0.44.dev20260713+nightly
codegen_flags: <defaults>
</compile_context>

<pallas_src>
import functools
import math

import jax
import jax.numpy as jnp
from jax import lax
from jax.experimental import pallas as pl
from jax.experimental.pallas import tpu as pltpu
from jax.experimental.pallas import tpu_sc as plsc

D = 128
SCALE = math.sqrt(float(D))

NC = 2
NS = 16
NW = NC * NS
C = 128
NBUF = 5
NL = 16


def _gather_body(nchunks, b_per_w, table_hbm, ids_hbm, out_hbm,
                 idx_v, *scr):
    bufs = scr[:NBUF]
    gsems = scr[NBUF:2 * NBUF]
    wsems = scr[2 * NBUF:3 * NBUF]
    wid = lax.axis_index("s") * NC + lax.axis_index("c")
    pltpu.sync_copy(ids_hbm.at[wid], idx_v)
    base = wid * b_per_w
    niter = nchunks // NBUF

    def start_gather(c, b):
        pltpu.async_copy(table_hbm.at[idx_v.at[c]], bufs[b], gsems[b])

    for b in range(NBUF):
        start_gather(b, b)

    def scale_buf(buf):
        def row(r, carry):
            for j in range(D // NL):
                sl = pl.ds(j * NL, NL)
                buf[r, sl] = buf[r, sl] * SCALE
            return carry
        lax.fori_loop(0, C, row, 0)

    def step(g, issue_next):
        c0 = g * NBUF
        for b in range(NBUF):
            pltpu.make_async_copy(
                table_hbm.at[idx_v.at[0]], bufs[b], gsems[b]).wait()
            scale_buf(bufs[b])
            pltpu.async_copy(
                bufs[b], out_hbm.at[pl.ds(base + (c0 + b) * C, C)], wsems[b])
        for b in range(NBUF):
            pltpu.make_async_copy(
                bufs[b], out_hbm.at[pl.ds(0, C)], wsems[b]).wait()
            if issue_next:
                start_gather(c0 + NBUF + b, b)

    def body(g, carry):
        step(g, True)
        return carry

    lax.fori_loop(0, niter - 1, body, 0)
    step(niter - 1, False)


def kernel(input_ids, table):
    nsent, seq = input_ids.shape
    b_total = input_ids.size
    b_per_w = b_total // NW
    nchunks = b_per_w // C
    ids = jnp.transpose(input_ids).reshape(NW, nchunks, C)

    mesh = plsc.VectorSubcoreMesh(core_axis_name="c", subcore_axis_name="s")
    gather = pl.kernel(
        functools.partial(_gather_body, nchunks, b_per_w),
        mesh=mesh,
        out_type=jax.ShapeDtypeStruct((b_total, D), jnp.float32),
        scratch_types=(
            [pltpu.VMEM((nchunks, C), jnp.int32)]
            + [pltpu.VMEM((C, D), jnp.float32) for _ in range(NBUF)]
            + [pltpu.SemaphoreType.DMA for _ in range(2 * NBUF)]
        ),
    )
    flat = gather(table, ids)
    return jnp.transpose(flat.reshape(seq, nsent, D), (1, 0, 2))

# --- scband reference (transcript-rebuilt; emitter-appended) ---
"""Pipeline reference for scband-token-embedding-35957466202750 (READ-ONLY COPY).

The authoritative reference and input builder live on the scoring server;
editing this copy changes nothing except your own understanding.
"""

import jax, jax.numpy as jnp
import numpy as np
import math

VOCAB = 100000
D_MODEL = 128
PAD_ID = 0
SCALE = math.sqrt(D_MODEL)


def setup_inputs(seed: int = 0) -> dict:
    key = jax.random.key(seed)
    k_idx, k_tab = jax.random.split(key)
    input_ids = jax.random.randint(k_idx, (4096, 50), 0, VOCAB, dtype=jnp.int64 if jax.config.jax_enable_x64 else jnp.int32).astype(jnp.int32)
    table = jax.random.normal(k_tab, (VOCAB, D_MODEL), dtype=jnp.float32)
    # nn.Embedding with padding_idx zeros that row at init
    table = table.at[PAD_ID].set(0.0)
    return {"input_ids": input_ids, "table": table}


def reference(input_ids, table):
    # embedding lookup (gather) followed by sqrt(d_model) scaling
    emb = jnp.take(table, input_ids, axis=0)
    return emb * SCALE

if __name__ == "__main__":
    import jax
    _d = setup_inputs()
    print(jax.jit(kernel)(*tuple(_d.values())))

</pallas_src>

<mosaic_0001>
#map = affine_map<(d0, d1) -> (0, 0)>
#map1 = affine_map<(d0, d1) -> (0, 0, 0)>
module attributes {stable_mosaic.version = 14 : i64} {
  func.func @_gather_body(%arg0: i32, %arg1: i32, %arg2: memref<100000x128xf32, #tpu.memory_space<hbm>>, %arg3: memref<32x50x128xi32, #tpu.memory_space<hbm>>, %arg4: memref<204800x128xf32, #tpu.memory_space<hbm>>, %arg5: memref<50x128xi32, #tpu.memory_space<vmem>>, %arg6: memref<128x128xf32, #tpu.memory_space<vmem>>, %arg7: memref<128x128xf32, #tpu.memory_space<vmem>>, %arg8: memref<128x128xf32, #tpu.memory_space<vmem>>, %arg9: memref<128x128xf32, #tpu.memory_space<vmem>>, %arg10: memref<128x128xf32, #tpu.memory_space<vmem>>, %arg11: memref<!tpu.dma_semaphore, #tpu.memory_space<semaphore_mem>>, %arg12: memref<!tpu.dma_semaphore, #tpu.memory_space<semaphore_mem>>, %arg13: memref<!tpu.dma_semaphore, #tpu.memory_space<semaphore_mem>>, %arg14: memref<!tpu.dma_semaphore, #tpu.memory_space<semaphore_mem>>, %arg15: memref<!tpu.dma_semaphore, #tpu.memory_space<semaphore_mem>>, %arg16: memref<!tpu.dma_semaphore, #tpu.memory_space<semaphore_mem>>, %arg17: memref<!tpu.dma_semaphore, #tpu.memory_space<semaphore_mem>>, %arg18: memref<!tpu.dma_semaphore, #tpu.memory_space<semaphore_mem>>, %arg19: memref<!tpu.dma_semaphore, #tpu.memory_space<semaphore_mem>>, %arg20: memref<!tpu.dma_semaphore, #tpu.memory_space<semaphore_mem>>) attributes {dimension_semantics = [#tpu.dimension_semantics<core_parallel>, #tpu.dimension_semantics<subcore_parallel>], iteration_bounds = array<i64: 2, 16>, scalar_prefetch = 0 : i64, scratch_operands = 16 : i64, tpu.core_type = #tpu.core_type<sc_vector_subcore>, window_params = [{transform_indices = #map}, {transform_indices = #map1}, {transform_indices = #map}]} {
    %mul3A = arith.constant 2 : i32
    %mul3A_0 = arith.muli %arg1, %mul3A : i32
    %add3A = arith.addi %mul3A_0, %arg0 : i32
    "tpu.region"() ({
      %run_scoped3A = tpu.sem_alloc : memref<!tpu.dma_semaphore, #tpu.memory_space<semaphore_mem>>
      %dma_start3A_166 = arith.constant 0 : i32
      %dma_start3A_167 = arith.constant 0 : i32
      %dma_start3A_168 = tpu.memref_slice %arg3[%add3A, %dma_start3A_166, %dma_start3A_167] : memref<32x50x128xi32, #tpu.memory_space<hbm>> -> memref<1x50x128xi32, #tpu.memory_space<hbm>>
      %dma_start3A_169 = tpu.memref_squeeze %dma_start3A_168 : memref<1x50x128xi32, #tpu.memory_space<hbm>> -> memref<50x128xi32, #tpu.memory_space<hbm>>
      %dma_start3A_170 = arith.constant 0 : i32
      %dma_start3A_171 = arith.constant 0 : i32
      %dma_start3A_172 = tpu.memref_slice %arg3[%add3A, %dma_start3A_170, %dma_start3A_171] : memref<32x50x128xi32, #tpu.memory_space<hbm>> -> memref<1x50x128xi32, #tpu.memory_space<hbm>>
      %dma_start3A_173 = tpu.memref_squeeze %dma_start3A_172 : memref<1x50x128xi32, #tpu.memory_space<hbm>> -> memref<50x128xi32, #tpu.memory_space<hbm>>
      tpu.enqueue_dma source(%dma_start3A_173 : memref<50x128xi32, #tpu.memory_space<hbm>>) target(%arg5 : memref<50x128xi32, #tpu.memory_space<vmem>>) target_semaphore(%run_scoped3A : memref<!tpu.dma_semaphore, #tpu.memory_space<semaphore_mem>>)
      %dma_wait3A_174 = arith.constant 0 : i32
      %dma_wait3A_175 = arith.constant 0 : i32
      %dma_wait3A_176 = tpu.memref_slice %arg3[%add3A, %dma_wait3A_174, %dma_wait3A_175] : memref<32x50x128xi32, #tpu.memory_space<hbm>> -> memref<1x50x128xi32, #tpu.memory_space<hbm>>
      %dma_wait3A_177 = tpu.memref_squeeze %dma_wait3A_176 : memref<1x50x128xi32, #tpu.memory_space<hbm>> -> memref<50x128xi32, #tpu.memory_space<hbm>>
      %dma_wait3A_178 = arith.constant 0 : i32
      %dma_wait3A_179 = arith.constant 0 : i32
      %dma_wait3A_180 = tpu.memref_slice %arg3[%add3A, %dma_wait3A_178, %dma_wait3A_179] : memref<32x50x128xi32, #tpu.memory_space<hbm>> -> memref<1x50x128xi32, #tpu.memory_space<hbm>>
      %dma_wait3A_181 = tpu.memref_squeeze %dma_wait3A_180 : memref<1x50x128xi32, #tpu.memory_space<hbm>> -> memref<50x128xi32, #tpu.memory_space<hbm>>
      tpu.wait_dma2 semaphore(%run_scoped3A : memref<!tpu.dma_semaphore, #tpu.memory_space<semaphore_mem>>) src(%dma_wait3A_181 : memref<50x128xi32, #tpu.memory_space<hbm>>) dst(%arg5 : memref<50x128xi32, #tpu.memory_space<vmem>>)
      tpu.yield
    }) : () -> ()
    %mul3A_1 = arith.constant 6400 : i32
    %mul3A_2 = arith.muli %add3A, %mul3A_1 : i32
    %dma_start3A = arith.constant 0 : i32
    %dma_start3A_3 = arith.constant 0 : i32
    %dma_start3A_4 = tpu.memref_slice %arg5[%dma_start3A, %dma_start3A_3] : memref<50x128xi32, #tpu.memory_space<vmem>> -> memref<1x128xi32, #tpu.memory_space<vmem>>
    %dma_start3A_5 = tpu.memref_squeeze %dma_start3A_4 : memref<1x128xi32, #tpu.memory_space<vmem>> -> memref<128xi32, #tpu.memory_space<vmem>>
    %dma_start3A_6 = arith.constant 0 : i32
    %dma_start3A_7 = arith.constant 0 : i32
    %dma_start3A_8 = tpu.memref_slice %arg2[%dma_start3A_6, %dma_start3A_7] : memref<100000x128xf32, #tpu.memory_space<hbm>> -> memref<100000x128xf32, #tpu.memory_space<hbm>>
    tpu.enqueue_indirect_dma source(%dma_start3A_8 : memref<100000x128xf32, #tpu.memory_space<hbm>>) target(%arg6 : memref<128x128xf32, #tpu.memory_space<vmem>>) offsets(%dma_start3A_5 : memref<128xi32, #tpu.memory_space<vmem>>) semaphore(%arg11 : memref<!tpu.dma_semaphore, #tpu.memory_space<semaphore_mem>>)
    %dma_start3A_9 = arith.constant 1 : i32
    %dma_start3A_10 = arith.constant 0 : i32
    %dma_start3A_11 = tpu.memref_slice %arg5[%dma_start3A_9, %dma_start3A_10] : memref<50x128xi32, #tpu.memory_space<vmem>> -> memref<1x128xi32, #tpu.memory_space<vmem>>
    %dma_start3A_12 = tpu.memref_squeeze %dma_start3A_11 : memref<1x128xi32, #tpu.memory_space<vmem>> -> memref<128xi32, #tpu.memory_space<vmem>>
    %dma_start3A_13 = arith.constant 0 : i32
    %dma_start3A_14 = arith.constant 0 : i32
    %dma_start3A_15 = tpu.memref_slice %arg2[%dma_start3A_13, %dma_start3A_14] : memref<100000x128xf32, #tpu.memory_space<hbm>> -> memref<100000x128xf32, #tpu.memory_space<hbm>>
    tpu.enqueue_indirect_dma source(%dma_start3A_15 : memref<100000x128xf32, #tpu.memory_space<hbm>>) target(%arg7 : memref<128x128xf32, #tpu.memory_space<vmem>>) offsets(%dma_start3A_12 : memref<128xi32, #tpu.memory_space<vmem>>) semaphore(%arg12 : memref<!tpu.dma_semaphore, #tpu.memory_space<semaphore_mem>>)
    %dma_start3A_16 = arith.constant 2 : i32
    %dma_start3A_17 = arith.constant 0 : i32
    %dma_start3A_18 = tpu.memref_slice %arg5[%dma_start3A_16, %dma_start3A_17] : memref<50x128xi32, #tpu.memory_space<vmem>> -> memref<1x128xi32, #tpu.memory_space<vmem>>
    %dma_start3A_19 = tpu.memref_squeeze %dma_start3A_18 : memref<1x128xi32, #tpu.memory_space<vmem>> -> memref<128xi32, #tpu.memory_space<vmem>>
    %dma_start3A_20 = arith.constant 0 : i32
    %dma_start3A_21 = arith.constant 0 : i32
    %dma_start3A_22 = tpu.memref_slice %arg2[%dma_start3A_20, %dma_start3A_21] : memref<100000x128xf32, #tpu.memory_space<hbm>> -> memref<100000x128xf32, #tpu.memory_space<hbm>>
    tpu.enqueue_indirect_dma source(%dma_start3A_22 : memref<100000x128xf32, #tpu.memory_space<hbm>>) target(%arg8 : memref<128x128xf32, #tpu.memory_space<vmem>>) offsets(%dma_start3A_19 : memref<128xi32, #tpu.memory_space<vmem>>) semaphore(%arg13 : memref<!tpu.dma_semaphore, #tpu.memory_space<semaphore_mem>>)
    %dma_start3A_23 = arith.constant 3 : i32
    %dma_start3A_24 = arith.constant 0 : i32
    %dma_start3A_25 = tpu.memref_slice %arg5[%dma_start3A_23, %dma_start3A_24] : memref<50x128xi32, #tpu.memory_space<vmem>> -> memref<1x128xi32, #tpu.memory_space<vmem>>
    %dma_start3A_26 = tpu.memref_squeeze %dma_start3A_25 : memref<1x128xi32, #tpu.memory_space<vmem>> -> memref<128xi32, #tpu.memory_space<vmem>>
    %dma_start3A_27 = arith.constant 0 : i32
    %dma_start3A_28 = arith.constant 0 : i32
    %dma_start3A_29 = tpu.memref_slice %arg2[%dma_start3A_27, %dma_start3A_28] : memref<100000x128xf32, #tpu.memory_space<hbm>> -> memref<100000x128xf32, #tpu.memory_space<hbm>>
    tpu.enqueue_indirect_dma source(%dma_start3A_29 : memref<100000x128xf32, #tpu.memory_space<hbm>>) target(%arg9 : memref<128x128xf32, #tpu.memory_space<vmem>>) offsets(%dma_start3A_26 : memref<128xi32, #tpu.memory_space<vmem>>) semaphore(%arg14 : memref<!tpu.dma_semaphore, #tpu.memory_space<semaphore_mem>>)
    %dma_start3A_30 = arith.constant 4 : i32
    %dma_start3A_31 = arith.constant 0 : i32
    %dma_start3A_32 = tpu.memref_slice %arg5[%dma_start3A_30, %dma_start3A_31] : memref<50x128xi32, #tpu.memory_space<vmem>> -> memref<1x128xi32, #tpu.memory_space<vmem>>
    %dma_start3A_33 = tpu.memref_squeeze %dma_start3A_32 : memref<1x128xi32, #tpu.memory_space<vmem>> -> memref<128xi32, #tpu.memory_space<vmem>>
    %dma_start3A_34 = arith.constant 0 : i32
    %dma_start3A_35 = arith.constant 0 : i32
    %dma_start3A_36 = tpu.memref_slice %arg2[%dma_start3A_34, %dma_start3A_35] : memref<100000x128xf32, #tpu.memory_space<hbm>> -> memref<100000x128xf32, #tpu.memory_space<hbm>>
    tpu.enqueue_indirect_dma source(%dma_start3A_36 : memref<100000x128xf32, #tpu.memory_space<hbm>>) target(%arg10 : memref<128x128xf32, #tpu.memory_space<vmem>>) offsets(%dma_start3A_33 : memref<128xi32, #tpu.memory_space<vmem>>) semaphore(%arg15 : memref<!tpu.dma_semaphore, #tpu.memory_space<semaphore_mem>>)
    %scan3A = arith.constant 0 : i32
    %scan3A_37 = arith.constant 0 : i32
    %scan3A_38 = arith.constant 9 : i32
    %scan3A_39 = arith.addi %scan3A_37, %scan3A_38 : i32
    %scan3A_40 = arith.constant 1 : i32
    scf.for %scan3A_166 = %scan3A_37 to %scan3A_39 step %scan3A_40  : i32 {
      %mul3A_167 = arith.constant 5 : i32
      %mul3A_168 = arith.muli %scan3A_166, %mul3A_167 : i32
      %dma_wait3A_169 = arith.constant 0 : i32
      %dma_wait3A_170 = arith.constant 0 : i32
      %dma_wait3A_171 = tpu.memref_slice %arg5[%dma_wait3A_169, %dma_wait3A_170] : memref<50x128xi32, #tpu.memory_space<vmem>> -> memref<1x128xi32, #tpu.memory_space<vmem>>
      %dma_wait3A_172 = tpu.memref_squeeze %dma_wait3A_171 : memref<1x128xi32, #tpu.memory_space<vmem>> -> memref<128xi32, #tpu.memory_space<vmem>>
      %dma_wait3A_173 = arith.constant 0 : i32
      %dma_wait3A_174 = arith.constant 0 : i32
      %dma_wait3A_175 = tpu.memref_slice %arg2[%dma_wait3A_173, %dma_wait3A_174] : memref<100000x128xf32, #tpu.memory_space<hbm>> -> memref<100000x128xf32, #tpu.memory_space<hbm>>
      tpu.wait_indirect_dma semaphore(%arg11 : memref<!tpu.dma_semaphore, #tpu.memory_space<semaphore_mem>>) src(%dma_wait3A_175 : memref<100000x128xf32, #tpu.memory_space<hbm>>) dst(%arg6 : memref<128x128xf32, #tpu.memory_space<vmem>>)
      %scan3A_176 = arith.constant 0 : i32
      %scan3A_177 = arith.constant 0 : i32
      %scan3A_178 = arith.constant 128 : i32
      %scan3A_179 = arith.addi %scan3A_177, %scan3A_178 : i32
      %scan3A_180 = arith.constant 1 : i32
      scf.for %scan3A_359 = %scan3A_177 to %scan3A_179 step %scan3A_180  : i32 {
        %get3A = arith.index_cast %scan3A_359 : i32 to index
        %get3A_360 = arith.constant 0 : index
        %get3A_361 = tpu.vector_load %arg6[%get3A, %get3A_360] {strides = array<i32>} : memref<128x128xf32, #tpu.memory_space<vmem>>, vector<1x16xf32>,
        %get3A_362 = vector.shape_cast %get3A_361 : vector<1x16xf32> to vector<16xf32>
        %mul3A_363 = arith.constant 11.3137083 : f32
        %mul3A_364 = vector.broadcast %mul3A_363 : f32 to vector<16xf32>
        %mul3A_365 = arith.mulf %get3A_362, %mul3A_364 : vector<16xf32>
        %swap3A = arith.index_cast %scan3A_359 : i32 to index
        %swap3A_366 = arith.constant 0 : index
        %swap3A_367 = tpu.vector_load %arg6[%swap3A, %swap3A_366] {strides = array<i32>} : memref<128x128xf32, #tpu.memory_space<vmem>>, vector<1x16xf32>,
        %swap3A_368 = vector.shape_cast %swap3A_367 : vector<1x16xf32> to vector<16xf32>
        %swap3A_369 = vector.shape_cast %mul3A_365 : vector<16xf32> to vector<1x16xf32>
        tpu.vector_store %arg6[%swap3A, %swap3A_366], %swap3A_369 {strides = array<i32>} : memref<128x128xf32, #tpu.memory_space<vmem>>, vector<1x16xf32>,
        %get3A_370 = arith.index_cast %scan3A_359 : i32 to index
        %get3A_371 = arith.constant 16 : index
        %get3A_372 = tpu.vector_load %arg6[%get3A_370, %get3A_371] {strides = array<i32>} : memref<128x128xf32, #tpu.memory_space<vmem>>, vector<1x16xf32>,
        %get3A_373 = vector.shape_cast %get3A_372 : vector<1x16xf32> to vector<16xf32>
        %mul3A_374 = arith.constant 11.3137083 : f32
        %mul3A_375 = vector.broadcast %mul3A_374 : f32 to vector<16xf32>
        %mul3A_376 = arith.mulf %get3A_373, %mul3A_375 : vector<16xf32>
        %swap3A_377 = arith.index_cast %scan3A_359 : i32 to index
        %swap3A_378 = arith.constant 16 : index
        %swap3A_379 = tpu.vector_load %arg6[%swap3A_377, %swap3A_378] {strides = array<i32>} : memref<128x128xf32, #tpu.memory_space<vmem>>, vector<1x16xf32>,
        %swap3A_380 = vector.shape_cast %swap3A_379 : vector<1x16xf32> to vector<16xf32>
        %swap3A_381 = vector.shape_cast %mul3A_376 : vector<16xf32> to vector<1x16xf32>
        tpu.vector_store %arg6[%swap3A_377, %swap3A_378], %swap3A_381 {strides = array<i32>} : memref<128x128xf32, #tpu.memory_space<vmem>>, vector<1x16xf32>,
        %get3A_382 = arith.index_cast %scan3A_359 : i32 to index
        %get3A_383 = arith.constant 32 : index
        %get3A_384 = tpu.vector_load %arg6[%get3A_382, %get3A_383] {strides = array<i32>} : memref<128x128xf32, #tpu.memory_space<vmem>>, vector<1x16xf32>,
        %get3A_385 = vector.shape_cast %get3A_384 : vector<1x16xf32> to vector<16xf32>
        %mul3A_386 = arith.constant 11.3137083 : f32
        %mul3A_387 = vector.broadcast %mul3A_386 : f32 to vector<16xf32>
        %mul3A_388 = arith.mulf %get3A_385, %mul3A_387 : vector<16xf32>
        %swap3A_389 = arith.index_cast %scan3A_359 : i32 to index
        %swap3A_390 = arith.constant 32 : index
        %swap3A_391 = tpu.vector_load %arg6[%swap3A_389, %swap3A_390] {strides = array<i32>} : memref<128x128xf32, #tpu.memory_space<vmem>>, vector<1x16xf32>,
        %swap3A_392 = vector.shape_cast %swap3A_391 : vector<1x16xf32> to vector<16xf32>
        %swap3A_393 = vector.shape_cast %mul3A_388 : vector<16xf32> to vector<1x16xf32>
        tpu.vector_store %arg6[%swap3A_389, %swap3A_390], %swap3A_393 {strides = array<i32>} : memref<128x128xf32, #tpu.memory_space<vmem>>, vector<1x16xf32>,
        %get3A_394 = arith.index_cast %scan3A_359 : i32 to index
        %get3A_395 = arith.constant 48 : index
        %get3A_396 = tpu.vector_load %arg6[%get3A_394, %get3A_395] {strides = array<i32>} : memref<128x128xf32, #tpu.memory_space<vmem>>, vector<1x16xf32>,
        %get3A_397 = vector.shape_cast %get3A_396 : vector<1x16xf32> to vector<16xf32>
        %mul3A_398 = arith.constant 11.3137083 : f32
        %mul3A_399 = vector.broadcast %mul3A_398 : f32 to vector<16xf32>
        %mul3A_400 = arith.mulf %get3A_397, %mul3A_399 : vector<16xf32>
        %swap3A_401 = arith.index_cast %scan3A_359 : i32 to index
        %swap3A_402 = arith.constant 48 : index
        %swap3A_403 = tpu.vector_load %arg6[%swap3A_401, %swap3A_402] {strides = array<i32>} : memref<128x128xf32, #tpu.memory_space<vmem>>, vector<1x16xf32>,
        %swap3A_404 = vector.shape_cast %swap3A_403 : vector<1x16xf32> to vector<16xf32>
        %swap3A_405 = vector.shape_cast %mul3A_400 : vector<16xf32> to vector<1x16xf32>
        tpu.vector_store %arg6[%swap3A_401, %swap3A_402], %swap3A_405 {strides = array<i32>} : memref<128x128xf32, #tpu.memory_space<vmem>>, vector<1x16xf32>,
        %get3A_406 = arith.index_cast %scan3A_359 : i32 to index
        %get3A_407 = arith.constant 64 : index
        %get3A_408 = tpu.vector_load %arg6[%get3A_406, %get3A_407] {strides = array<i32>} : memref<128x128xf32, #tpu.memory_space<vmem>>, vector<1x16xf32>,
        %get3A_409 = vector.shape_cast %get3A_408 : vector<1x16xf32> to vector<16xf32>
        %mul3A_410 = arith.constant 11.3137083 : f32
        %mul3A_411 = vector.broadcast %mul3A_410 : f32 to vector<16xf32>
        %mul3A_412 = arith.mulf %get3A_409, %mul3A_411 : vector<16xf32>
        %swap3A_413 = arith.index_cast %scan3A_359 : i32 to index
        %swap3A_414 = arith.constant 64 : index
        %swap3A_415 = tpu.vector_load %arg6[%swap3A_413, %swap3A_414] {strides = array<i32>} : memref<128x128xf32, #tpu.memory_space<vmem>>, vector<1x16xf32>,
        %swap3A_416 = vector.shape_cast %swap3A_415 : vector<1x16xf32> to vector<16xf32>
        %swap3A_417 = vector.shape_cast %mul3A_412 : vector<16xf32> to vector<1x16xf32>
        tpu.vector_store %arg6[%swap3A_413, %swap3A_414], %swap3A_417 {strides = array<i32>} : memref<128x128xf32, #tpu.memory_space<vmem>>, vector<1x16xf32>,
        %get3A_418 = arith.index_cast %scan3A_359 : i32 to index
        %get3A_419 = arith.constant 80 : index
        %get3A_420 = tpu.vector_load %arg6[%get3A_418, %get3A_419] {strides = array<i32>} : memref<128x128xf32, #tpu.memory_space<vmem>>, vector<1x16xf32>,
        %get3A_421 = vector.shape_cast %get3A_420 : vector<1x16xf32> to vector<16xf32>
        %mul3A_422 = arith.constant 11.3137083 : f32
        %mul3A_423 = vector.broadcast %mul3A_422 : f32 to vector<16xf32>
        %mul3A_424 = arith.mulf %get3A_421, %mul3A_423 : vector<16xf32>
        %swap3A_425 = arith.index_cast %scan3A_359 : i32 to index
        %swap3A_426 = arith.constant 80 : index
        %swap3A_427 = tpu.vector_load %arg6[%swap3A_425, %swap3A_426] {strides = array<i32>} : memref<128x128xf32, #tpu.memory_space<vmem>>, vector<1x16xf32>,
        %swap3A_428 = vector.shape_cast %swap3A_427 : vector<1x16xf32> to vector<16xf32>
        %swap3A_429 = vector.shape_cast %mul3A_424 : vector<16xf32> to vector<1x16xf32>
        tpu.vector_store %arg6[%swap3A_425, %swap3A_426], %swap3A_429 {strides = array<i32>} : memref<128x128xf32, #tpu.memory_space<vmem>>, vector<1x16xf32>,
        %get3A_430 = arith.index_cast %scan3A_359 : i32 to index
        %get3A_431 = arith.constant 96 : index
        %get3A_432 = tpu.vector_load %arg6[%get3A_430, %get3A_431] {strides = array<i32>} : memref<128x128xf32, #tpu.memory_space<vmem>>, vector<1x16xf32>,
        %get3A_433 = vector.shape_cast %get3A_432 : vector<1x16xf32> to vector<16xf32>
        %mul3A_434 = arith.constant 11.3137083 : f32
        %mul3A_435 = vector.broadcast %mul3A_434 : f32 to vector<16xf32>
        %mul3A_436 = arith.mulf %get3A_433, %mul3A_435 : vector<16xf32>
        %swap3A_437 = arith.index_cast %scan3A_359 : i32 to index
        %swap3A_438 = arith.constant 96 : index
        %swap3A_439 = tpu.vector_load %arg6[%swap3A_437, %swap3A_438] {strides = array<i32>} : memref<128x128xf32, #tpu.memory_space<vmem>>, vector<1x16xf32>,
        %swap3A_440 = vector.shape_cast %swap3A_439 : vector<1x16xf32> to vector<16xf32>
        %swap3A_441 = vector.shape_cast %mul3A_436 : vector<16xf32> to vector<1x16xf32>
        tpu.vector_store %arg6[%swap3A_437, %swap3A_438], %swap3A_441 {strides = array<i32>} : memref<128x128xf32, #tpu.memory_space<vmem>>, vector<1x16xf32>,
        %get3A_442 = arith.index_cast %scan3A_359 : i32 to index
        %get3A_443 = arith.constant 112 : index
        %get3A_444 = tpu.vector_load %arg6[%get3A_442, %get3A_443] {strides = array<i32>} : memref<128x128xf32, #tpu.memory_space<vmem>>, vector<1x16xf32>,
        %get3A_445 = vector.shape_cast %get3A_444 : vector<1x16xf32> to vector<16xf32>
        %mul3A_446 = arith.constant 11.3137083 : f32
        %mul3A_447 = vector.broadcast %mul3A_446 : f32 to vector<16xf32>
        %mul3A_448 = arith.mulf %get3A_445, %mul3A_447 : vector<16xf32>
        %swap3A_449 = arith.index_cast %scan3A_359 : i32 to index
        %swap3A_450 = arith.constant 112 : index
        %swap3A_451 = tpu.vector_load %arg6[%swap3A_449, %swap3A_450] {strides = array<i32>} : memref<128x128xf32, #tpu.memory_space<vmem>>, vector<1x16xf32>,
        %swap3A_452 = vector.shape_cast %swap3A_451 : vector<1x16xf32> to vector<16xf32>
        %swap3A_453 = vector.shape_cast %mul3A_448 : vector<16xf32> to vector<1x16xf32>
        tpu.vector_store %arg6[%swap3A_449, %swap3A_450], %swap3A_453 {strides = array<i32>} : memref<128x128xf32, #tpu.memory_space<vmem>>, vector<1x16xf32>,
      }
      %scan3A_181 = arith.constant 128 : i32
      %add3A_182 = arith.constant 0 : i32
      %add3A_183 = arith.addi %mul3A_168, %add3A_182 : i32
      %mul3A_184 = arith.constant 128 : i32
      %mul3A_185 = arith.muli %add3A_183, %mul3A_184 : i32
      %add3A_186 = arith.addi %mul3A_2, %mul3A_185 : i32
      %dma_start3A_187 = arith.constant 0 : i32
      %dma_start3A_188 = tpu.memref_slice %arg4[%add3A_186, %dma_start3A_187] : memref<204800x128xf32, #tpu.memory_space<hbm>> -> memref<128x128xf32, #tpu.memory_space<hbm>>
      %dma_start3A_189 = arith.constant 0 : i32
      %dma_start3A_190 = tpu.memref_slice %arg4[%add3A_186, %dma_start3A_189] : memref<204800x128xf32, #tpu.memory_space<hbm>> -> memref<128x128xf32, #tpu.memory_space<hbm>>
      tpu.enqueue_dma source(%arg6 : memref<128x128xf32, #tpu.memory_space<vmem>>) target(%dma_start3A_190 : memref<128x128xf32, #tpu.memory_space<hbm>>) target_semaphore(%arg16 : memref<!tpu.dma_semaphore, #tpu.memory_space<semaphore_mem>>)
      %dma_wait3A_191 = arith.constant 0 : i32
      %dma_wait3A_192 = arith.constant 0 : i32
      %dma_wait3A_193 = tpu.memref_slice %arg5[%dma_wait3A_191, %dma_wait3A_192] : memref<50x128xi32, #tpu.memory_space<vmem>> -> memref<1x128xi32, #tpu.memory_space<vmem>>
      %dma_wait3A_194 = tpu.memref_squeeze %dma_wait3A_193 : memref<1x128xi32, #tpu.memory_space<vmem>> -> memref<128xi32, #tpu.memory_space<vmem>>
      %dma_wait3A_195 = arith.constant 0 : i32
      %dma_wait3A_196 = arith.constant 0 : i32
      %dma_wait3A_197 = tpu.memref_slice %arg2[%dma_wait3A_195, %dma_wait3A_196] : memref<100000x128xf32, #tpu.memory_space<hbm>> -> memref<100000x128xf32, #tpu.memory_space<hbm>>
      tpu.wait_indirect_dma semaphore(%arg12 : memref<!tpu.dma_semaphore, #tpu.memory_space<semaphore_mem>>) src(%dma_wait3A_197 : memref<100000x128xf32, #tpu.memory_space<hbm>>) dst(%arg7 : memref<128x128xf32, #tpu.memory_space<vmem>>)
      %scan3A_198 = arith.constant 0 : i32
      %scan3A_199 = arith.constant 0 : i32
      %scan3A_200 = arith.constant 128 : i32
      %scan3A_201 = arith.addi %scan3A_199, %scan3A_200 : i32
      %scan3A_202 = arith.constant 1 : i32
      scf.for %scan3A_359 = %scan3A_199 to %scan3A_201 step %scan3A_202  : i32 {
        %get3A = arith.index_cast %scan3A_359 : i32 to index
        %get3A_360 = arith.constant 0 : index
        %get3A_361 = tpu.vector_load %arg7[%get3A, %get3A_360] {strides = array<i32>} : memref<128x128xf32, #tpu.memory_space<vmem>>, vector<1x16xf32>,
        %get3A_362 = vector.shape_cast %get3A_361 : vector<1x16xf32> to vector<16xf32>
        %mul3A_363 = arith.constant 11.3137083 : f32
        %mul3A_364 = vector.broadcast %mul3A_363 : f32 to vector<16xf32>
        %mul3A_365 = arith.mulf %get3A_362, %mul3A_364 : vector<16xf32>
        %swap3A = arith.index_cast %scan3A_359 : i32 to index
        %swap3A_366 = arith.constant 0 : index
        %swap3A_367 = tpu.vector_load %arg7[%swap3A, %swap3A_366] {strides = array<i32>} : memref<128x128xf32, #tpu.memory_space<vmem>>, vector<1x16xf32>,
        %swap3A_368 = vector.shape_cast %swap3A_367 : vector<1x16xf32> to vector<16xf32>
        %swap3A_369 = vector.shape_cast %mul3A_365 : vector<16xf32> to vector<1x16xf32>
        tpu.vector_store %arg7[%swap3A, %swap3A_366], %swap3A_369 {strides = array<i32>} : memref<128x128xf32, #tpu.memory_space<vmem>>, vector<1x16xf32>,
        %get3A_370 = arith.index_cast %scan3A_359 : i32 to index
        %get3A_371 = arith.constant 16 : index
        %get3A_372 = tpu.vector_load %arg7[%get3A_370, %get3A_371] {strides = array<i32>} : memref<128x128xf32, #tpu.memory_space<vmem>>, vector<1x16xf32>,
        %get3A_373 = vector.shape_cast %get3A_372 : vector<1x16xf32> to vector<16xf32>
        %mul3A_374 = arith.constant 11.3137083 : f32
        %mul3A_375 = vector.broadcast %mul3A_374 : f32 to vector<16xf32>
        %mul3A_376 = arith.mulf %get3A_373, %mul3A_375 : vector<16xf32>
        %swap3A_377 = arith.index_cast %scan3A_359 : i32 to index
        %swap3A_378 = arith.constant 16 : index
        %swap3A_379 = tpu.vector_load %arg7[%swap3A_377, %swap3A_378] {strides = array<i32>} : memref<128x128xf32, #tpu.memory_space<vmem>>, vector<1x16xf32>,
        %swap3A_380 = vector.shape_cast %swap3A_379 : vector<1x16xf32> to vector<16xf32>
        %swap3A_381 = vector.shape_cast %mul3A_376 : vector<16xf32> to vector<1x16xf32>
        tpu.vector_store %arg7[%swap3A_377, %swap3A_378], %swap3A_381 {strides = array<i32>} : memref<128x128xf32, #tpu.memory_space<vmem>>, vector<1x16xf32>,
        %get3A_382 = arith.index_cast %scan3A_359 : i32 to index
        %get3A_383 = arith.constant 32 : index
        %get3A_384 = tpu.vector_load %arg7[%get3A_382, %get3A_383] {strides = array<i32>} : memref<128x128xf32, #tpu.memory_space<vmem>>, vector<1x16xf32>,
        %get3A_385 = vector.shape_cast %get3A_384 : vector<1x16xf32> to vector<16xf32>
        %mul3A_386 = arith.constant 11.3137083 : f32
        %mul3A_387 = vector.broadcast %mul3A_386 : f32 to vector<16xf32>
        %mul3A_388 = arith.mulf %get3A_385, %mul3A_387 : vector<16xf32>
        %swap3A_389 = arith.index_cast %scan3A_359 : i32 to index
        %swap3A_390 = arith.constant 32 : index
        %swap3A_391 = tpu.vector_load %arg7[%swap3A_389, %swap3A_390] {strides = array<i32>} : memref<128x128xf32, #tpu.memory_space<vmem>>, vector<1x16xf32>,
        %swap3A_392 = vector.shape_cast %swap3A_391 : vector<1x16xf32> to vector<16xf32>
        %swap3A_393 = vector.shape_cast %mul3A_388 : vector<16xf32> to vector<1x16xf32>
        tpu.vector_store %arg7[%swap3A_389, %swap3A_390], %swap3A_393 {strides = array<i32>} : memref<128x128xf32, #tpu.memory_space<vmem>>, vector<1x16xf32>,
        %get3A_394 = arith.index_cast %scan3A_359 : i32 to index
        %get3A_395 = arith.constant 48 : index
        %get3A_396 = tpu.vector_load %arg7[%get3A_394, %get3A_395] {strides = array<i32>} : memref<128x128xf32, #tpu.memory_space<vmem>>, vector<1x16xf32>,
        %get3A_397 = vector.shape_cast %get3A_396 : vector<1x16xf32> to vector<16xf32>
        %mul3A_398 = arith.constant 11.3137083 : f32
        %mul3A_399 = vector.broadcast %mul3A_398 : f32 to vector<16xf32>
        %mul3A_400 = arith.mulf %get3A_397, %mul3A_399 : vector<16xf32>
        %swap3A_401 = arith.index_cast %scan3A_359 : i32 to index
        %swap3A_402 = arith.constant 48 : index
        %swap3A_403 = tpu.vector_load %arg7[%swap3A_401, %swap3A_402] {strides = array<i32>} : memref<128x128xf32, #tpu.memory_space<vmem>>, vector<1x16xf32>,
        %swap3A_404 = vector.shape_cast %swap3A_403 : vector<1x16xf32> to vector<16xf32>
        %swap3A_405 = vector.shape_cast %mul3A_400 : vector<16xf32> to vector<1x16xf32>
        tpu.vector_store %arg7[%swap3A_401, %swap3A_402], %swap3A_405 {strides = array<i32>} : memref<128x128xf32, #tpu.memory_space<vmem>>, vector<1x16xf32>,
        %get3A_406 = arith.index_cast %scan3A_359 : i32 to index
        %get3A_407 = arith.constant 64 : index
        %get3A_408 = tpu.vector_load %arg7[%get3A_406, %get3A_407] {strides = array<i32>} : memref<128x128xf32, #tpu.memory_space<vmem>>, vector<1x16xf32>,
        %get3A_409 = vector.shape_cast %get3A_408 : vector<1x16xf32> to vector<16xf32>
        %mul3A_410 = arith.constant 11.3137083 : f32
        %mul3A_411 = vector.broadcast %mul3A_410 : f32 to vector<16xf32>
        %mul3A_412 = arith.mulf %get3A_409, %mul3A_411 : vector<16xf32>
        %swap3A_413 = arith.index_cast %scan3A_359 : i32 to index
        %swap3A_414 = arith.constant 64 : index
        %swap3A_415 = tpu.vector_load %arg7[%swap3A_413, %swap3A_414] {strides = array<i32>} : memref<128x128xf32, #tpu.memory_space<vmem>>, vector<1x16xf32>,
        %swap3A_416 = vector.shape_cast %swap3A_415 : vector<1x16xf32> to vector<16xf32>
        %swap3A_417 = vector.shape_cast %mul3A_412 : vector<16xf32> to vector<1x16xf32>
        tpu.vector_store %arg7[%swap3A_413, %swap3A_414], %swap3A_417 {strides = array<i32>} : memref<128x128xf32, #tpu.memory_space<vmem>>, vector<1x16xf32>,
        %get3A_418 = arith.index_cast %scan3A_359 : i32 to index
        %get3A_419 = arith.constant 80 : index
        %get3A_420 = tpu.vector_load %arg7[%get3A_418, %get3A_419] {strides = array<i32>} : memref<128x128xf32, #tpu.memory_space<vmem>>, vector<1x16xf32>,
        %get3A_421 = vector.shape_cast %get3A_420 : vector<1x16xf32> to vector<16xf32>
        %mul3A_422 = arith.constant 11.3137083 : f32
        %mul3A_423 = vector.broadcast %mul3A_422 : f32 to vector<16xf32>
        %mul3A_424 = arith.mulf %get3A_421, %mul3A_423 : vector<16xf32>
        %swap3A_425 = arith.index_cast %scan3A_359 : i32 to index
        %swap3A_426 = arith.constant 80 : index
        %swap3A_427 = tpu.vector_load %arg7[%swap3A_425, %swap3A_426] {strides = array<i32>} : memref<128x128xf32, #tpu.memory_space<vmem>>, vector<1x16xf32>,
        %swap3A_428 = vector.shape_cast %swap3A_427 : vector<1x16xf32> to vector<16xf32>
        %swap3A_429 = vector.shape_cast %mul3A_424 : vector<16xf32> to vector<1x16xf32>
        tpu.vector_store %arg7[%swap3A_425, %swap3A_426], %swap3A_429 {strides = array<i32>} : memref<128x128xf32, #tpu.memory_space<vmem>>, vector<1x16xf32>,
        %get3A_430 = arith.index_cast %scan3A_359 : i32 to index
        %get3A_431 = arith.constant 96 : index
        %get3A_432 = tpu.vector_load %arg7[%get3A_430, %get3A_431] {strides = array<i32>} : memref<128x128xf32, #tpu.memory_space<vmem>>, vector<1x16xf32>,
        %get3A_433 = vector.shape_cast %get3A_432 : vector<1x16xf32> to vector<16xf32>
        %mul3A_434 = arith.constant 11.3137083 : f32
        %mul3A_435 = vector.broadcast %mul3A_434 : f32 to vector<16xf32>
        %mul3A_436 = arith.mulf %get3A_433, %mul3A_435 : vector<16xf32>
        %swap3A_437 = arith.index_cast %scan3A_359 : i32 to index
        %swap3A_438 = arith.constant 96 : index
        %swap3A_439 = tpu.vector_load %arg7[%swap3A_437, %swap3A_438] {strides = array<i32>} : memref<128x128xf32, #tpu.memory_space<vmem>>, vector<1x16xf32>,
        %swap3A_440 = vector.shape_cast %swap3A_439 : vector<1x16xf32> to vector<16xf32>
        %swap3A_441 = vector.shape_cast %mul3A_436 : vector<16xf32> to vector<1x16xf32>
        tpu.vector_store %arg7[%swap3A_437, %swap3A_438], %swap3A_441 {strides = array<i32>} : memref<128x128xf32, #tpu.memory_space<vmem>>, vector<1x16xf32>,
        %get3A_442 = arith.index_cast %scan3A_359 : i32 to index
        %get3A_443 = arith.constant 112 : index
        %get3A_444 = tpu.vector_load %arg7[%get3A_442, %get3A_443] {strides = array<i32>} : memref<128x128xf32, #tpu.memory_space<vmem>>, vector<1x16xf32>,
        %get3A_445 = vector.shape_cast %get3A_444 : vector<1x16xf32> to vector<16xf32>
        %mul3A_446 = arith.constant 11.3137083 : f32
        %mul3A_447 = vector.broadcast %mul3A_446 : f32 to vector<16xf32>
        %mul3A_448 = arith.mulf %get3A_445, %mul3A_447 : vector<16xf32>
        %swap3A_449 = arith.index_cast %scan3A_359 : i32 to index
        %swap3A_450 = arith.constant 112 : index
        %swap3A_451 = tpu.vector_load %arg7[%swap3A_449, %swap3A_450] {strides = array<i32>} : memref<128x128xf32, #tpu.memory_space<vmem>>, vector<1x16xf32>,
        %swap3A_452 = vector.shape_cast %swap3A_451 : vector<1x16xf32> to vector<16xf32>
        %swap3A_453 = vector.shape_cast %mul3A_448 : vector<16xf32> to vector<1x16xf32>
        tpu.vector_store %arg7[%swap3A_449, %swap3A_450], %swap3A_453 {strides = array<i32>} : memref<128x128xf32, #tpu.memory_space<vmem>>, vector<1x16xf32>,
      }
      %scan3A_203 = arith.constant 128 : i32
      %add3A_204 = arith.constant 1 : i32
      %add3A_205 = arith.addi %mul3A_168, %add3A_204 : i32
      %mul3A_206 = arith.constant 128 : i32
      %mul3A_207 = arith.muli %add3A_205, %mul3A_206 : i32
      %add3A_208 = arith.addi %mul3A_2, %mul3A_207 : i32
      %dma_start3A_209 = arith.constant 0 : i32
      %dma_start3A_210 = tpu.memref_slice %arg4[%add3A_208, %dma_start3A_209] : memref<204800x128xf32, #tpu.memory_space<hbm>> -> memref<128x128xf32, #tpu.memory_space<hbm>>
      %dma_start3A_211 = arith.constant 0 : i32
      %dma_start3A_212 = tpu.memref_slice %arg4[%add3A_208, %dma_start3A_211] : memref<204800x128xf32, #tpu.memory_space<hbm>> -> memref<128x128xf32, #tpu.memory_space<hbm>>
      tpu.enqueue_dma source(%arg7 : memref<128x128xf32, #tpu.memory_space<vmem>>) target(%dma_start3A_212 : memref<128x128xf32, #tpu.memory_space<hbm>>) target_semaphore(%arg17 : memref<!tpu.dma_semaphore, #tpu.memory_space<semaphore_mem>>)
      %dma_wait3A_213 = arith.constant 0 : i32
      %dma_wait3A_214 = arith.constant 0 : i32
      %dma_wait3A_215 = tpu.memref_slice %arg5[%dma_wait3A_213, %dma_wait3A_214] : memref<50x128xi32, #tpu.memory_space<vmem>> -> memref<1x128xi32, #tpu.memory_space<vmem>>
      %dma_wait3A_216 = tpu.memref_squeeze %dma_wait3A_215 : memref<1x128xi32, #tpu.memory_space<vmem>> -> memref<128xi32, #tpu.memory_space<vmem>>
      %dma_wait3A_217 = arith.constant 0 : i32
      %dma_wait3A_218 = arith.constant 0 : i32
      %dma_wait3A_219 = tpu.memref_slice %arg2[%dma_wait3A_217, %dma_wait3A_218] : memref<100000x128xf32, #tpu.memory_space<hbm>> -> memref<100000x128xf32, #tpu.memory_space<hbm>>
      tpu.wait_indirect_dma semaphore(%arg13 : memref<!tpu.dma_semaphore, #tpu.memory_space<semaphore_mem>>) src(%dma_wait3A_219 : memref<100000x128xf32, #tpu.memory_space<hbm>>) dst(%arg8 : memref<128x128xf32, #tpu.memory_space<vmem>>)
      %scan3A_220 = arith.constant 0 : i32
      %scan3A_221 = arith.constant 0 : i32
      %scan3A_222 = arith.constant 128 : i32
      %scan3A_223 = arith.addi %scan3A_221, %scan3A_222 : i32
      %scan3A_224 = arith.constant 1 : i32
      scf.for %scan3A_359 = %scan3A_221 to %scan3A_223 step %scan3A_224  : i32 {
        %get3A = arith.index_cast %scan3A_359 : i32 to index
        %get3A_360 = arith.constant 0 : index
        %get3A_361 = tpu.vector_load %arg8[%get3A, %get3A_360] {strides = array<i32>} : memref<128x128xf32, #tpu.memory_space<vmem>>, vector<1x16xf32>,
        %get3A_362 = vector.shape_cast %get3A_361 : vector<1x16xf32> to vector<16xf32>
        %mul3A_363 = arith.constant 11.3137083 : f32
        %mul3A_364 = vector.broadcast %mul3A_363 : f32 to vector<16xf32>
        %mul3A_365 = arith.mulf %get3A_362, %mul3A_364 : vector<16xf32>
        %swap3A = arith.index_cast %scan3A_359 : i32 to index
        %swap3A_366 = arith.constant 0 : index
        %swap3A_367 = tpu.vector_load %arg8[%swap3A, %swap3A_366] {strides = array<i32>} : memref<128x128xf32, #tpu.memory_space<vmem>>, vector<1x16xf32>,
        %swap3A_368 = vector.shape_cast %swap3A_367 : vector<1x16xf32> to vector<16xf32>
        %swap3A_369 = vector.shape_cast %mul3A_365 : vector<16xf32> to vector<1x16xf32>
        tpu.vector_store %arg8[%swap3A, %swap3A_366], %swap3A_369 {strides = array<i32>} : memref<128x128xf32, #tpu.memory_space<vmem>>, vector<1x16xf32>,
        %get3A_370 = arith.index_cast %scan3A_359 : i32 to index
        %get3A_371 = arith.constant 16 : index
        %get3A_372 = tpu.vector_load %arg8[%get3A_370, %get3A_371] {strides = array<i32>} : memref<128x128xf32, #tpu.memory_space<vmem>>, vector<1x16xf32>,
        %get3A_373 = vector.shape_cast %get3A_372 : vector<1x16xf32> to vector<16xf32>
        %mul3A_374 = arith.constant 11.3137083 : f32
        %mul3A_375 = vector.broadcast %mul3A_374 : f32 to vector<16xf32>
        %mul3A_376 = arith.mulf %get3A_373, %mul3A_375 : vector<16xf32>
        %swap3A_377 = arith.index_cast %scan3A_359 : i32 to index
        %swap3A_378 = arith.constant 16 : index
        %swap3A_379 = tpu.vector_load %arg8[%swap3A_377, %swap3A_378] {strides = array<i32>} : memref<128x128xf32, #tpu.memory_space<vmem>>, vector<1x16xf32>,
        %swap3A_380 = vector.shape_cast %swap3A_379 : vector<1x16xf32> to vector<16xf32>
        %swap3A_381 = vector.shape_cast %mul3A_376 : vector<16xf32> to vector<1x16xf32>
        tpu.vector_store %arg8[%swap3A_377, %swap3A_378], %swap3A_381 {strides = array<i32>} : memref<128x128xf32, #tpu.memory_space<vmem>>, vector<1x16xf32>,
        %get3A_382 = arith.index_cast %scan3A_359 : i32 to index
        %get3A_383 = arith.constant 32 : index
        %get3A_384 = tpu.vector_load %arg8[%get3A_382, %get3A_383] {strides = array<i32>} : memref<128x128xf32, #tpu.memory_space<vmem>>, vector<1x16xf32>,
        %get3A_385 = vector.shape_cast %get3A_384 : vector<1x16xf32> to vector<16xf32>
        %mul3A_386 = arith.constant 11.3137083 : f32
        %mul3A_387 = vector.broadcast %mul3A_386 : f32 to vector<16xf32>
        %mul3A_388 = arith.mulf %get3A_385, %mul3A_387 : vector<16xf32>
        %swap3A_389 = arith.index_cast %scan3A_359 : i32 to index
        %swap3A_390 = arith.constant 32 : index
        %swap3A_391 = tpu.vector_load %arg8[%swap3A_389, %swap3A_390] {strides = array<i32>} : memref<128x128xf32, #tpu.memory_space<vmem>>, vector<1x16xf32>,
        %swap3A_392 = vector.shape_cast %swap3A_391 : vector<1x16xf32> to vector<16xf32>
        %swap3A_393 = vector.shape_cast %mul3A_388 : vector<16xf32> to vector<1x16xf32>
        tpu.vector_store %arg8[%swap3A_389, %swap3A_390], %swap3A_393 {strides = array<i32>} : memref<128x128xf32, #tpu.memory_space<vmem>>, vector<1x16xf32>,
        %get3A_394 = arith.index_cast %scan3A_359 : i32 to index
        %get3A_395 = arith.constant 48 : index
        %get3A_396 = tpu.vector_load %arg8[%get3A_394, %get3A_395] {strides = array<i32>} : memref<128x128xf32, #tpu.memory_space<vmem>>, vector<1x16xf32>,
        %get3A_397 = vector.shape_cast %get3A_396 : vector<1x16xf32> to vector<16xf32>
        %mul3A_398 = arith.constant 11.3137083 : f32
        %mul3A_399 = vector.broadcast %mul3A_398 : f32 to vector<16xf32>
        %mul3A_400 = arith.mulf %get3A_397, %mul3A_399 : vector<16xf32>
        %swap3A_401 = arith.index_cast %scan3A_359 : i32 to index
        %swap3A_402 = arith.constant 48 : index
        %swap3A_403 = tpu.vector_load %arg8[%swap3A_401, %swap3A_402] {strides = array<i32>} : memref<128x128xf32, #tpu.memory_space<vmem>>, vector<1x16xf32>,
        %swap3A_404 = vector.shape_cast %swap3A_403 : vector<1x16xf32> to vector<16xf32>
        %swap3A_405 = vector.shape_cast %mul3A_400 : vector<16xf32> to vector<1x16xf32>
        tpu.vector_store %arg8[%swap3A_401, %swap3A_402], %swap3A_405 {strides = array<i32>} : memref<128x128xf32, #tpu.memory_space<vmem>>, vector<1x16xf32>,
        %get3A_406 = arith.index_cast %scan3A_359 : i32 to index
        %get3A_407 = arith.constant 64 : index
        %get3A_408 = tpu.vector_load %arg8[%get3A_406, %get3A_407] {strides = array<i32>} : memref<128x128xf32, #tpu.memory_space<vmem>>, vector<1x16xf32>,
        %get3A_409 = vector.shape_cast %get3A_408 : vector<1x16xf32> to vector<16xf32>
        %mul3A_410 = arith.constant 11.3137083 : f32
        %mul3A_411 = vector.broadcast %mul3A_410 : f32 to vector<16xf32>
        %mul3A_412 = arith.mulf %get3A_409, %mul3A_411 : vector<16xf32>
        %swap3A_413 = arith.index_cast %scan3A_359 : i32 to index
        %swap3A_414 = arith.constant 64 : index
        %swap3A_415 = tpu.vector_load %arg8[%swap3A_413, %swap3A_414] {strides = array<i32>} : memref<128x128xf32, #tpu.memory_space<vmem>>, vector<1x16xf32>,
        %swap3A_416 = vector.shape_cast %swap3A_415 : vector<1x16xf32> to vector<16xf32>
        %swap3A_417 = vector.shape_cast %mul3A_412 : vector<16xf32> to vector<1x16xf32>
        tpu.vector_store %arg8[%swap3A_413, %swap3A_414], %swap3A_417 {strides = array<i32>} : memref<128x128xf32, #tpu.memory_space<vmem>>, vector<1x16xf32>,
        %get3A_418 = arith.index_cast %scan3A_359 : i32 to index
        %get3A_419 = arith.constant 80 : index
        %get3A_420 = tpu.vector_load %arg8[%get3A_418, %get3A_419] {strides = array<i32>} : memref<128x128xf32, #tpu.memory_space<vmem>>, vector<1x16xf32>,
        %get3A_421 = vector.shape_cast %get3A_420 : vector<1x16xf32> to vector<16xf32>
        %mul3A_422 = arith.constant 11.3137083 : f32
        %mul3A_423 = vector.broadcast %mul3A_422 : f32 to vector<16xf32>
        %mul3A_424 = arith.mulf %get3A_421, %mul3A_423 : vector<16xf32>
        %swap3A_425 = arith.index_cast %scan3A_359 : i32 to index
        %swap3A_426 = arith.constant 80 : index
        %swap3A_427 = tpu.vector_load %arg8[%swap3A_425, %swap3A_426] {strides = array<i32>} : memref<128x128xf32, #tpu.memory_space<vmem>>, vector<1x16xf32>,
        %swap3A_428 = vector.shape_cast %swap3A_427 : vector<1x16xf32> to vector<16xf32>
        %swap3A_429 = vector.shape_cast %mul3A_424 : vector<16xf32> to vector<1x16xf32>
        tpu.vector_store %arg8[%swap3A_425, %swap3A_426], %swap3A_429 {strides = array<i32>} : memref<128x128xf32, #tpu.memory_space<vmem>>, vector<1x16xf32>,
        %get3A_430 = arith.index_cast %scan3A_359 : i32 to index
        %get3A_431 = arith.constant 96 : index
        %get3A_432 = tpu.vector_load %arg8[%get3A_430, %get3A_431] {strides = array<i32>} : memref<128x128xf32, #tpu.memory_space<vmem>>, vector<1x16xf32>,
        %get3A_433 = vector.shape_cast %get3A_432 : vector<1x16xf32> to vector<16xf32>
        %mul3A_434 = arith.constant 11.3137083 : f32
        %mul3A_435 = vector.broadcast %mul3A_434 : f32 to vector<16xf32>
        %mul3A_436 = arith.mulf %get3A_433, %mul3A_435 : vector<16xf32>
        %swap3A_437 = arith.index_cast %scan3A_359 : i32 to index
        %swap3A_438 = arith.constant 96 : index
        %swap3A_439 = tpu.vector_load %arg8[%swap3A_437, %swap3A_438] {strides = array<i32>} : memref<128x128xf32, #tpu.memory_space<vmem>>, vector<1x16xf32>,
        %swap3A_440 = vector.shape_cast %swap3A_439 : vector<1x16xf32> to vector<16xf32>
        %swap3A_441 = vector.shape_cast %mul3A_436 : vector<16xf32> to vector<1x16xf32>
        tpu.vector_store %arg8[%swap3A_437, %swap3A_438], %swap3A_441 {strides = array<i32>} : memref<128x128xf32, #tpu.memory_space<vmem>>, vector<1x16xf32>,
        %get3A_442 = arith.index_cast %scan3A_359 : i32 to index
        %get3A_443 = arith.constant 112 : index
        %get3A_444 = tpu.vector_load %arg8[%get3A_442, %get3A_443] {strides = array<i32>} : memref<128x128xf32, #tpu.memory_space<vmem>>, vector<1x16xf32>,
        %get3A_445 = vector.shape_cast %get3A_444 : vector<1x16xf32> to vector<16xf32>
        %mul3A_446 = arith.constant 11.3137083 : f32
        %mul3A_447 = vector.broadcast %mul3A_446 : f32 to vector<16xf32>
        %mul3A_448 = arith.mulf %get3A_445, %mul3A_447 : vector<16xf32>
        %swap3A_449 = arith.index_cast %scan3A_359 : i32 to index
        %swap3A_450 = arith.constant 112 : index
        %swap3A_451 = tpu.vector_load %arg8[%swap3A_449, %swap3A_450] {strides = array<i32>} : memref<128x128xf32, #tpu.memory_space<vmem>>, vector<1x16xf32>,
        %swap3A_452 = vector.shape_cast %swap3A_451 : vector<1x16xf32> to vector<16xf32>
        %swap3A_453 = vector.shape_cast %mul3A_448 : vector<16xf32> to vector<1x16xf32>
        tpu.vector_store %arg8[%swap3A_449, %swap3A_450], %swap3A_453 {strides = array<i32>} : memref<128x128xf32, #tpu.memory_space<vmem>>, vector<1x16xf32>,
      }
      %scan3A_225 = arith.constant 128 : i32
      %add3A_226 = arith.constant 2 : i32
      %add3A_227 = arith.addi %mul3A_168, %add3A_226 : i32
      %mul3A_228 = arith.constant 128 : i32
      %mul3A_229 = arith.muli %add3A_227, %mul3A_228 : i32
      %add3A_230 = arith.addi %mul3A_2, %mul3A_229 : i32
      %dma_start3A_231 = arith.constant 0 : i32
      %dma_start3A_232 = tpu.memref_slice %arg4[%add3A_230, %dma_start3A_231] : memref<204800x128xf32, #tpu.memory_space<hbm>> -> memref<128x128xf32, #tpu.memory_space<hbm>>
      %dma_start3A_233 = arith.constant 0 : i32
      %dma_start3A_234 = tpu.memref_slice %arg4[%add3A_230, %dma_start3A_233] : memref<204800x128xf32, #tpu.memory_space<hbm>> -> memref<128x128xf32, #tpu.memory_space<hbm>>
      tpu.enqueue_dma source(%arg8 : memref<128x128xf32, #tpu.memory_space<vmem>>) target(%dma_start3A_234 : memref<128x128xf32, #tpu.memory_space<hbm>>) target_semaphore(%arg18 : memref<!tpu.dma_semaphore, #tpu.memory_space<semaphore_mem>>)
      %dma_wait3A_235 = arith.constant 0 : i32
      %dma_wait3A_236 = arith.constant 0 : i32
      %dma_wait3A_237 = tpu.memref_slice %arg5[%dma_wait3A_235, %dma_wait3A_236] : memref<50x128xi32, #tpu.memory_space<vmem>> -> memref<1x128xi32, #tpu.memory_space<vmem>>
      %dma_wait3A_238 = tpu.memref_squeeze %dma_wait3A_237 : memref<1x128xi32, #tpu.memory_space<vmem>> -> memref<128xi32, #tpu.memory_space<vmem>>
      %dma_wait3A_239 = arith.constant 0 : i32
      %dma_wait3A_240 = arith.constant 0 : i32
      %dma_wait3A_241 = tpu.memref_slice %arg2[%dma_wait3A_239, %dma_wait3A_240] : memref<100000x128xf32, #tpu.memory_space<hbm>> -> memref<100000x128xf32, #tpu.memory_space<hbm>>
      tpu.wait_indirect_dma semaphore(%arg14 : memref<!tpu.dma_semaphore, #tpu.memory_space<semaphore_mem>>) src(%dma_wait3A_241 : memref<100000x128xf32, #tpu.memory_space<hbm>>) dst(%arg9 : memref<128x128xf32, #tpu.memory_space<vmem>>)
      %scan3A_242 = arith.constant 0 : i32
      %scan3A_243 = arith.constant 0 : i32
      %scan3A_244 = arith.constant 128 : i32
      %scan3A_245 = arith.addi %scan3A_243, %scan3A_244 : i32
      %scan3A_246 = arith.constant 1 : i32
      scf.for %scan3A_359 = %scan3A_243 to %scan3A_245 step %scan3A_246  : i32 {
        %get3A = arith.index_cast %scan3A_359 : i32 to index
        %get3A_360 = arith.constant 0 : index
        %get3A_361 = tpu.vector_load %arg9[%get3A, %get3A_360] {strides = array<i32>} : memref<128x128xf32, #tpu.memory_space<vmem>>, vector<1x16xf32>,
        %get3A_362 = vector.shape_cast %get3A_361 : vector<1x16xf32> to vector<16xf32>
        %mul3A_363 = arith.constant 11.3137083 : f32
        %mul3A_364 = vector.broadcast %mul3A_363 : f32 to vector<16xf32>
        %mul3A_365 = arith.mulf %get3A_362, %mul3A_364 : vector<16xf32>
        %swap3A = arith.index_cast %scan3A_359 : i32 to index
        %swap3A_366 = arith.constant 0 : index
        %swap3A_367 = tpu.vector_load %arg9[%swap3A, %swap3A_366] {strides = array<i32>} : memref<128x128xf32, #tpu.memory_space<vmem>>, vector<1x16xf32>,
        %swap3A_368 = vector.shape_cast %swap3A_367 : vector<1x16xf32> to vector<16xf32>
        %swap3A_369 = vector.shape_cast %mul3A_365 : vector<16xf32> to vector<1x16xf32>
        tpu.vector_store %arg9[%swap3A, %swap3A_366], %swap3A_369 {strides = array<i32>} : memref<128x128xf32, #tpu.memory_space<vmem>>, vector<1x16xf32>,
        %get3A_370 = arith.index_cast %scan3A_359 : i32 to index
        %get3A_371 = arith.constant 16 : index
        %get3A_372 = tpu.vector_load %arg9[%get3A_370, %get3A_371] {strides = array<i32>} : memref<128x128xf32, #tpu.memory_space<vmem>>, vector<1x16xf32>,
        %get3A_373 = vector.shape_cast %get3A_372 : vector<1x16xf32> to vector<16xf32>
        %mul3A_374 = arith.constant 11.3137083 : f32
        %mul3A_375 = vector.broadcast %mul3A_374 : f32 to vector<16xf32>
        %mul3A_376 = arith.mulf %get3A_373, %mul3A_375 : vector<16xf32>
        %swap3A_377 = arith.index_cast %scan3A_359 : i32 to index
        %swap3A_378 = arith.constant 16 : index
        %swap3A_379 = tpu.vector_load %arg9[%swap3A_377, %swap3A_378] {strides = array<i32>} : memref<128x128xf32, #tpu.memory_space<vmem>>, vector<1x16xf32>,
        %swap3A_380 = vector.shape_cast %swap3A_379 : vector<1x16xf32> to vector<16xf32>
        %swap3A_381 = vector.shape_cast %mul3A_376 : vector<16xf32> to vector<1x16xf32>
        tpu.vector_store %arg9[%swap3A_377, %swap3A_378], %swap3A_381 {strides = array<i32>} : memref<128x128xf32, #tpu.memory_space<vmem>>, vector<1x16xf32>,
        %get3A_382 = arith.index_cast %scan3A_359 : i32 to index
        %get3A_383 = arith.constant 32 : index
        %get3A_384 = tpu.vector_load %arg9[%get3A_382, %get3A_383] {strides = array<i32>} : memref<128x128xf32, #tpu.memory_space<vmem>>, vector<1x16xf32>,
        %get3A_385 = vector.shape_cast %get3A_384 : vector<1x16xf32> to vector<16xf32>
        %mul3A_386 = arith.constant 11.3137083 : f32
        %mul3A_387 = vector.broadcast %mul3A_386 : f32 to vector<16xf32>
        %mul3A_388 = arith.mulf %get3A_385, %mul3A_387 : vector<16xf32>
        %swap3A_389 = arith.index_cast %scan3A_359 : i32 to index
        %swap3A_390 = arith.constant 32 : index
        %swap3A_391 = tpu.vector_load %arg9[%swap3A_389, %swap3A_390] {strides = array<i32>} : memref<128x128xf32, #tpu.memory_space<vmem>>, vector<1x16xf32>,
        %swap3A_392 = vector.shape_cast %swap3A_391 : vector<1x16xf32> to vector<16xf32>
        %swap3A_393 = vector.shape_cast %mul3A_388 : vector<16xf32> to vector<1x16xf32>
        tpu.vector_store %arg9[%swap3A_389, %swap3A_390], %swap3A_393 {strides = array<i32>} : memref<128x128xf32, #tpu.memory_space<vmem>>, vector<1x16xf32>,
        %get3A_394 = arith.index_cast %scan3A_359 : i32 to index
        %get3A_395 = arith.constant 48 : index
        %get3A_396 = tpu.vector_load %arg9[%get3A_394, %get3A_395] {strides = array<i32>} : memref<128x128xf32, #tpu.memory_space<vmem>>, vector<1x16xf32>,
        %get3A_397 = vector.shape_cast %get3A_396 : vector<1x16xf32> to vector<16xf32>
        %mul3A_398 = arith.constant 11.3137083 : f32
        %mul3A_399 = vector.broadcast %mul3A_398 : f32 to vector<16xf32>
        %mul3A_400 = arith.mulf %get3A_397, %mul3A_399 : vector<16xf32>
        %swap3A_401 = arith.index_cast %scan3A_359 : i32 to index
        %swap3A_402 = arith.constant 48 : index
        %swap3A_403 = tpu.vector_load %arg9[%swap3A_401, %swap3A_402] {strides = array<i32>} : memref<128x128xf32, #tpu.memory_space<vmem>>, vector<1x16xf32>,
        %swap3A_404 = vector.shape_cast %swap3A_403 : vector<1x16xf32> to vector<16xf32>
        %swap3A_405 = vector.shape_cast %mul3A_400 : vector<16xf32> to vector<1x16xf32>
        tpu.vector_store %arg9[%swap3A_401, %swap3A_402], %swap3A_405 {strides = array<i32>} : memref<128x128xf32, #tpu.memory_space<vmem>>, vector<1x16xf32>,
        %get3A_406 = arith.index_cast %scan3A_359 : i32 to index
        %get3A_407 = arith.constant 64 : index
        %get3A_408 = tpu.vector_load %arg9[%get3A_406, %get3A_407] {strides = array<i32>} : memref<128x128xf32, #tpu.memory_space<vmem>>, vector<1x16xf32>,
        %get3A_409 = vector.shape_cast %get3A_408 : vector<1x16xf32> to vector<16xf32>
        %mul3A_410 = arith.constant 11.3137083 : f32
        %mul3A_411 = vector.broadcast %mul3A_410 : f32 to vector<16xf32>
        %mul3A_412 = arith.mulf %get3A_409, %mul3A_411 : vector<16xf32>
        %swap3A_413 = arith.index_cast %scan3A_359 : i32 to index
        %swap3A_414 = arith.constant 64 : index
        %swap3A_415 = tpu.vector_load %arg9[%swap3A_413, %swap3A_414] {strides = array<i32>} : memref<128x128xf32, #tpu.memory_space<vmem>>, vector<1x16xf32>,
        %swap3A_416 = vector.shape_cast %swap3A_415 : vector<1x16xf32> to vector<16xf32>
        %swap3A_417 = vector.shape_cast %mul3A_412 : vector<16xf32> to vector<1x16xf32>
        tpu.vector_store %arg9[%swap3A_413, %swap3A_414], %swap3A_417 {strides = array<i32>} : memref<128x128xf32, #tpu.memory_space<vmem>>, vector<1x16xf32>,
        %get3A_418 = arith.index_cast %scan3A_359 : i32 to index
        %get3A_419 = arith.constant 80 : index
        %get3A_420 = tpu.vector_load %arg9[%get3A_418, %get3A_419] {strides = array<i32>} : memref<128x128xf32, #tpu.memory_space<vmem>>, vector<1x16xf32>,
        %get3A_421 = vector.shape_cast %get3A_420 : vector<1x16xf32> to vector<16xf32>
        %mul3A_422 = arith.constant 11.3137083 : f32
        %mul3A_423 = vector.broadcast %mul3A_422 : f32 to vector<16xf32>
        %mul3A_424 = arith.mulf %get3A_421, %mul3A_423 : vector<16xf32>
        %swap3A_425 = arith.index_cast %scan3A_359 : i32 to index
        %swap3A_426 = arith.constant 80 : index
        %swap3A_427 = tpu.vector_load %arg9[%swap3A_425, %swap3A_426] {strides = array<i32>} : memref<128x128xf32, #tpu.memory_space<vmem>>, vector<1x16xf32>,
        %swap3A_428 = vector.shape_cast %swap3A_427 : vector<1x16xf32> to vector<16xf32>
        %swap3A_429 = vector.shape_cast %mul3A_424 : vector<16xf32> to vector<1x16xf32>
        tpu.vector_store %arg9[%swap3A_425, %swap3A_426], %swap3A_429 {strides = array<i32>} : memref<128x128xf32, #tpu.memory_space<vmem>>, vector<1x16xf32>,
        %get3A_430 = arith.index_cast %scan3A_359 : i32 to index
        %get3A_431 = arith.constant 96 : index
        %get3A_432 = tpu.vector_load %arg9[%get3A_430, %get3A_431] {strides = array<i32>} : memref<128x128xf32, #tpu.memory_space<vmem>>, vector<1x16xf32>,
        %get3A_433 = vector.shape_cast %get3A_432 : vector<1x16xf32> to vector<16xf32>
        %mul3A_434 = arith.constant 11.3137083 : f32
        %mul3A_435 = vector.broadcast %mul3A_434 : f32 to vector<16xf32>
        %mul3A_436 = arith.mulf %get3A_433, %mul3A_435 : vector<16xf32>
        %swap3A_437 = arith.index_cast %scan3A_359 : i32 to index
        %swap3A_438 = arith.constant 96 : index
        %swap3A_439 = tpu.vector_load %arg9[%swap3A_437, %swap3A_438] {strides = array<i32>} : memref<128x128xf32, #tpu.memory_space<vmem>>, vector<1x16xf32>,
        %swap3A_440 = vector.shape_cast %swap3A_439 : vector<1x16xf32> to vector<16xf32>
        %swap3A_441 = vector.shape_cast %mul3A_436 : vector<16xf32> to vector<1x16xf32>
        tpu.vector_store %arg9[%swap3A_437, %swap3A_438], %swap3A_441 {strides = array<i32>} : memref<128x128xf32, #tpu.memory_space<vmem>>, vector<1x16xf32>,
        %get3A_442 = arith.index_cast %scan3A_359 : i32 to index
        %get3A_443 = arith.constant 112 : index
        %get3A_444 = tpu.vector_load %arg9[%get3A_442, %get3A_443] {strides = array<i32>} : memref<128x128xf32, #tpu.memory_space<vmem>>, vector<1x16xf32>,
        %get3A_445 = vector.shape_cast %get3A_444 : vector<1x16xf32> to vector<16xf32>
        %mul3A_446 = arith.constant 11.3137083 : f32
        %mul3A_447 = vector.broadcast %mul3A_446 : f32 to vector<16xf32>
        %mul3A_448 = arith.mulf %get3A_445, %mul3A_447 : vector<16xf32>
        %swap3A_449 = arith.index_cast %scan3A_359 : i32 to index
        %swap3A_450 = arith.constant 112 : index
        %swap3A_451 = tpu.vector_load %arg9[%swap3A_449, %swap3A_450] {strides = array<i32>} : memref<128x128xf32, #tpu.memory_space<vmem>>, vector<1x16xf32>,
        %swap3A_452 = vector.shape_cast %swap3A_451 : vector<1x16xf32> to vector<16xf32>
        %swap3A_453 = vector.shape_cast %mul3A_448 : vector<16xf32> to vector<1x16xf32>
        tpu.vector_store %arg9[%swap3A_449, %swap3A_450], %swap3A_453 {strides = array<i32>} : memref<128x128xf32, #tpu.memory_space<vmem>>, vector<1x16xf32>,
      }
      %scan3A_247 = arith.constant 128 : i32
      %add3A_248 = arith.constant 3 : i32
      %add3A_249 = arith.addi %mul3A_168, %add3A_248 : i32
      %mul3A_250 = arith.constant 128 : i32
      %mul3A_251 = arith.muli %add3A_249, %mul3A_250 : i32
      %add3A_252 = arith.addi %mul3A_2, %mul3A_251 : i32
      %dma_start3A_253 = arith.constant 0 : i32
      %dma_start3A_254 = tpu.memref_slice %arg4[%add3A_252, %dma_start3A_253] : memref<204800x128xf32, #tpu.memory_space<hbm>> -> memref<128x128xf32, #tpu.memory_space<hbm>>
      %dma_start3A_255 = arith.constant 0 : i32
      %dma_start3A_256 = tpu.memref_slice %arg4[%add3A_252, %dma_start3A_255] : memref<204800x128xf32, #tpu.memory_space<hbm>> -> memref<128x128xf32, #tpu.memory_space<hbm>>
      tpu.enqueue_dma source(%arg9 : memref<128x128xf32, #tpu.memory_space<vmem>>) target(%dma_start3A_256 : memref<128x128xf32, #tpu.memory_space<hbm>>) target_semaphore(%arg19 : memref<!tpu.dma_semaphore, #tpu.memory_space<semaphore_mem>>)
      %dma_wait3A_257 = arith.constant 0 : i32
      %dma_wait3A_258 = arith.constant 0 : i32
      %dma_wait3A_259 = tpu.memref_slice %arg5[%dma_wait3A_257, %dma_wait3A_258] : memref<50x128xi32, #tpu.memory_space<vmem>> -> memref<1x128xi32, #tpu.memory_space<vmem>>
      %dma_wait3A_260 = tpu.memref_squeeze %dma_wait3A_259 : memref<1x128xi32, #tpu.memory_space<vmem>> -> memref<128xi32, #tpu.memory_space<vmem>>
      %dma_wait3A_261 = arith.constant 0 : i32
      %dma_wait3A_262 = arith.constant 0 : i32
      %dma_wait3A_263 = tpu.memref_slice %arg2[%dma_wait3A_261, %dma_wait3A_262] : memref<100000x128xf32, #tpu.memory_space<hbm>> -> memref<100000x128xf32, #tpu.memory_space<hbm>>
      tpu.wait_indirect_dma semaphore(%arg15 : memref<!tpu.dma_semaphore, #tpu.memory_space<semaphore_mem>>) src(%dma_wait3A_263 : memref<100000x128xf32, #tpu.memory_space<hbm>>) dst(%arg10 : memref<128x128xf32, #tpu.memory_space<vmem>>)
      %scan3A_264 = arith.constant 0 : i32
      %scan3A_265 = arith.constant 0 : i32
      %scan3A_266 = arith.constant 128 : i32
      %scan3A_267 = arith.addi %scan3A_265, %scan3A_266 : i32
      %scan3A_268 = arith.constant 1 : i32
      scf.for %scan3A_359 = %scan3A_265 to %scan3A_267 step %scan3A_268  : i32 {
        %get3A = arith.index_cast %scan3A_359 : i32 to index
        %get3A_360 = arith.constant 0 : index
        %get3A_361 = tpu.vector_load %arg10[%get3A, %get3A_360] {strides = array<i32>} : memref<128x128xf32, #tpu.memory_space<vmem>>, vector<1x16xf32>,
        %get3A_362 = vector.shape_cast %get3A_361 : vector<1x16xf32> to vector<16xf32>
        %mul3A_363 = arith.constant 11.3137083 : f32
        %mul3A_364 = vector.broadcast %mul3A_363 : f32 to vector<16xf32>
        %mul3A_365 = arith.mulf %get3A_362, %mul3A_364 : vector<16xf32>
        %swap3A = arith.index_cast %scan3A_359 : i32 to index
        %swap3A_366 = arith.constant 0 : index
        %swap3A_367 = tpu.vector_load %arg10[%swap3A, %swap3A_366] {strides = array<i32>} : memref<128x128xf32, #tpu.memory_space<vmem>>, vector<1x16xf32>,
        %swap3A_368 = vector.shape_cast %swap3A_367 : vector<1x16xf32> to vector<16xf32>
        %swap3A_369 = vector.shape_cast %mul3A_365 : vector<16xf32> to vector<1x16xf32>
        tpu.vector_store %arg10[%swap3A, %swap3A_366], %swap3A_369 {strides = array<i32>} : memref<128x128xf32, #tpu.memory_space<vmem>>, vector<1x16xf32>,
        %get3A_370 = arith.index_cast %scan3A_359 : i32 to index
        %get3A_371 = arith.constant 16 : index
        %get3A_372 = tpu.vector_load %arg10[%get3A_370, %get3A_371] {strides = array<i32>} : memref<128x128xf32, #tpu.memory_space<vmem>>, vector<1x16xf32>,
        %get3A_373 = vector.shape_cast %get3A_372 : vector<1x16xf32> to vector<16xf32>
        %mul3A_374 = arith.constant 11.3137083 : f32
        %mul3A_375 = vector.broadcast %mul3A_374 : f32 to vector<16xf32>
        %mul3A_376 = arith.mulf %get3A_373, %mul3A_375 : vector<16xf32>
        %swap3A_377 = arith.index_cast %scan3A_359 : i32 to index
        %swap3A_378 = arith.constant 16 : index
        %swap3A_379 = tpu.vector_load %arg10[%swap3A_377, %swap3A_378] {strides = array<i32>} : memref<128x128xf32, #tpu.memory_space<vmem>>, vector<1x16xf32>,
        %swap3A_380 = vector.shape_cast %swap3A_379 : vector<1x16xf32> to vector<16xf32>
        %swap3A_381 = vector.shape_cast %mul3A_376 : vector<16xf32> to vector<1x16xf32>
        tpu.vector_store %arg10[%swap3A_377, %swap3A_378], %swap3A_381 {strides = array<i32>} : memref<128x128xf32, #tpu.memory_space<vmem>>, vector<1x16xf32>,
        %get3A_382 = arith.index_cast %scan3A_359 : i32 to index
        %get3A_383 = arith.constant 32 : index
        %get3A_384 = tpu.vector_load %arg10[%get3A_382, %get3A_383] {strides = array<i32>} : memref<128x128xf32, #tpu.memory_space<vmem>>, vector<1x16xf32>,
        %get3A_385 = vector.shape_cast %get3A_384 : vector<1x16xf32> to vector<16xf32>
        %mul3A_386 = arith.constant 11.3137083 : f32
        %mul3A_387 = vector.broadcast %mul3A_386 : f32 to vector<16xf32>
        %mul3A_388 = arith.mulf %get3A_385, %mul3A_387 : vector<16xf32>
        %swap3A_389 = arith.index_cast %scan3A_359 : i32 to index
        %swap3A_390 = arith.constant 32 : index
        %swap3A_391 = tpu.vector_load %arg10[%swap3A_389, %swap3A_390] {strides = array<i32>} : memref<128x128xf32, #tpu.memory_space<vmem>>, vector<1x16xf32>,
        %swap3A_392 = vector.shape_cast %swap3A_391 : vector<1x16xf32> to vector<16xf32>
        %swap3A_393 = vector.shape_cast %mul3A_388 : vector<16xf32> to vector<1x16xf32>
        tpu.vector_store %arg10[%swap3A_389, %swap3A_390], %swap3A_393 {strides = array<i32>} : memref<128x128xf32, #tpu.memory_space<vmem>>, vector<1x16xf32>,
        %get3A_394 = arith.index_cast %scan3A_359 : i32 to index
        %get3A_395 = arith.constant 48 : index
        %get3A_396 = tpu.vector_load %arg10[%get3A_394, %get3A_395] {strides = array<i32>} : memref<128x128xf32, #tpu.memory_space<vmem>>, vector<1x16xf32>,
        %get3A_397 = vector.shape_cast %get3A_396 : vector<1x16xf32> to vector<16xf32>
        %mul3A_398 = arith.constant 11.3137083 : f32
        %mul3A_399 = vector.broadcast %mul3A_398 : f32 to vector<16xf32>
        %mul3A_400 = arith.mulf %get3A_397, %mul3A_399 : vector<16xf32>
        %swap3A_401 = arith.index_cast %scan3A_359 : i32 to index
        %swap3A_402 = arith.constant 48 : index
        %swap3A_403 = tpu.vector_load %arg10[%swap3A_401, %swap3A_402] {strides = array<i32>} : memref<128x128xf32, #tpu.memory_space<vmem>>, vector<1x16xf32>,
        %swap3A_404 = vector.shape_cast %swap3A_403 : vector<1x16xf32> to vector<16xf32>
        %swap3A_405 = vector.shape_cast %mul3A_400 : vector<16xf32> to vector<1x16xf32>
        tpu.vector_store %arg10[%swap3A_401, %swap3A_402], %swap3A_405 {strides = array<i32>} : memref<128x128xf32, #tpu.memory_space<vmem>>, vector<1x16xf32>,
        %get3A_406 = arith.index_cast %scan3A_359 : i32 to index
        %get3A_407 = arith.constant 64 : index
        %get3A_408 = tpu.vector_load %arg10[%get3A_406, %get3A_407] {strides = array<i32>} : memref<128x128xf32, #tpu.memory_space<vmem>>, vector<1x16xf32>,
        %get3A_409 = vector.shape_cast %get3A_408 : vector<1x16xf32> to vector<16xf32>
        %mul3A_410 = arith.constant 11.3137083 : f32
        %mul3A_411 = vector.broadcast %mul3A_410 : f32 to vector<16xf32>
        %mul3A_412 = arith.mulf %get3A_409, %mul3A_411 : vector<16xf32>
        %swap3A_413 = arith.index_cast %scan3A_359 : i32 to index
        %swap3A_414 = arith.constant 64 : index
        %swap3A_415 = tpu.vector_load %arg10[%swap3A_413, %swap3A_414] {strides = array<i32>} : memref<128x128xf32, #tpu.memory_space<vmem>>, vector<1x16xf32>,
        %swap3A_416 = vector.shape_cast %swap3A_415 : vector<1x16xf32> to vector<16xf32>
        %swap3A_417 = vector.shape_cast %mul3A_412 : vector<16xf32> to vector<1x16xf32>
        tpu.vector_store %arg10[%swap3A_413, %swap3A_414], %swap3A_417 {strides = array<i32>} : memref<128x128xf32, #tpu.memory_space<vmem>>, vector<1x16xf32>,
        %get3A_418 = arith.index_cast %scan3A_359 : i32 to index
        %get3A_419 = arith.constant 80 : index
        %get3A_420 = tpu.vector_load %arg10[%get3A_418, %get3A_419] {strides = array<i32>} : memref<128x128xf32, #tpu.memory_space<vmem>>, vector<1x16xf32>,
        %get3A_421 = vector.shape_cast %get3A_420 : vector<1x16xf32> to vector<16xf32>
        %mul3A_422 = arith.constant 11.3137083 : f32
        %mul3A_423 = vector.broadcast %mul3A_422 : f32 to vector<16xf32>
        %mul3A_424 = arith.mulf %get3A_421, %mul3A_423 : vector<16xf32>
        %swap3A_425 = arith.index_cast %scan3A_359 : i32 to index
        %swap3A_426 = arith.constant 80 : index
        %swap3A_427 = tpu.vector_load %arg10[%swap3A_425, %swap3A_426] {strides = array<i32>} : memref<128x128xf32, #tpu.memory_space<vmem>>, vector<1x16xf32>,
        %swap3A_428 = vector.shape_cast %swap3A_427 : vector<1x16xf32> to vector<16xf32>
        %swap3A_429 = vector.shape_cast %mul3A_424 : vector<16xf32> to vector<1x16xf32>
        tpu.vector_store %arg10[%swap3A_425, %swap3A_426], %swap3A_429 {strides = array<i32>} : memref<128x128xf32, #tpu.memory_space<vmem>>, vector<1x16xf32>,
        %get3A_430 = arith.index_cast %scan3A_359 : i32 to index
        %get3A_431 = arith.constant 96 : index
        %get3A_432 = tpu.vector_load %arg10[%get3A_430, %get3A_431] {strides = array<i32>} : memref<128x128xf32, #tpu.memory_space<vmem>>, vector<1x16xf32>,
        %get3A_433 = vector.shape_cast %get3A_432 : vector<1x16xf32> to vector<16xf32>
        %mul3A_434 = arith.constant 11.3137083 : f32
        %mul3A_435 = vector.broadcast %mul3A_434 : f32 to vector<16xf32>
        %mul3A_436 = arith.mulf %get3A_433, %mul3A_435 : vector<16xf32>
        %swap3A_437 = arith.index_cast %scan3A_359 : i32 to index
        %swap3A_438 = arith.constant 96 : index
        %swap3A_439 = tpu.vector_load %arg10[%swap3A_437, %swap3A_438] {strides = array<i32>} : memref<128x128xf32, #tpu.memory_space<vmem>>, vector<1x16xf32>,
        %swap3A_440 = vector.shape_cast %swap3A_439 : vector<1x16xf32> to vector<16xf32>
        %swap3A_441 = vector.shape_cast %mul3A_436 : vector<16xf32> to vector<1x16xf32>
        tpu.vector_store %arg10[%swap3A_437, %swap3A_438], %swap3A_441 {strides = array<i32>} : memref<128x128xf32, #tpu.memory_space<vmem>>, vector<1x16xf32>,
        %get3A_442 = arith.index_cast %scan3A_359 : i32 to index
        %get3A_443 = arith.constant 112 : index
        %get3A_444 = tpu.vector_load %arg10[%get3A_442, %get3A_443] {strides = array<i32>} : memref<128x128xf32, #tpu.memory_space<vmem>>, vector<1x16xf32>,
        %get3A_445 = vector.shape_cast %get3A_444 : vector<1x16xf32> to vector<16xf32>
        %mul3A_446 = arith.constant 11.3137083 : f32
        %mul3A_447 = vector.broadcast %mul3A_446 : f32 to vector<16xf32>
        %mul3A_448 = arith.mulf %get3A_445, %mul3A_447 : vector<16xf32>
        %swap3A_449 = arith.index_cast %scan3A_359 : i32 to index
        %swap3A_450 = arith.constant 112 : index
        %swap3A_451 = tpu.vector_load %arg10[%swap3A_449, %swap3A_450] {strides = array<i32>} : memref<128x128xf32, #tpu.memory_space<vmem>>, vector<1x16xf32>,
        %swap3A_452 = vector.shape_cast %swap3A_451 : vector<1x16xf32> to vector<16xf32>
        %swap3A_453 = vector.shape_cast %mul3A_448 : vector<16xf32> to vector<1x16xf32>
        tpu.vector_store %arg10[%swap3A_449, %swap3A_450], %swap3A_453 {strides = array<i32>} : memref<128x128xf32, #tpu.memory_space<vmem>>, vector<1x16xf32>,
      }
      %scan3A_269 = arith.constant 128 : i32
      %add3A_270 = arith.constant 4 : i32
      %add3A_271 = arith.addi %mul3A_168, %add3A_270 : i32
      %mul3A_272 = arith.constant 128 : i32
      %mul3A_273 = arith.muli %add3A_271, %mul3A_272 : i32
      %add3A_274 = arith.addi %mul3A_2, %mul3A_273 : i32
      %dma_start3A_275 = arith.constant 0 : i32
      %dma_start3A_276 = tpu.memref_slice %arg4[%add3A_274, %dma_start3A_275] : memref<204800x128xf32, #tpu.memory_space<hbm>> -> memref<128x128xf32, #tpu.memory_space<hbm>>
      %dma_start3A_277 = arith.constant 0 : i32
      %dma_start3A_278 = tpu.memref_slice %arg4[%add3A_274, %dma_start3A_277] : memref<204800x128xf32, #tpu.memory_space<hbm>> -> memref<128x128xf32, #tpu.memory_space<hbm>>
      tpu.enqueue_dma source(%arg10 : memref<128x128xf32, #tpu.memory_space<vmem>>) target(%dma_start3A_278 : memref<128x128xf32, #tpu.memory_space<hbm>>) target_semaphore(%arg20 : memref<!tpu.dma_semaphore, #tpu.memory_space<semaphore_mem>>)
      %dma_wait3A_279 = arith.constant 0 : i32
      %dma_wait3A_280 = arith.constant 0 : i32
      %dma_wait3A_281 = tpu.memref_slice %arg4[%dma_wait3A_279, %dma_wait3A_280] : memref<204800x128xf32, #tpu.memory_space<hbm>> -> memref<128x128xf32, #tpu.memory_space<hbm>>
      %dma_wait3A_282 = arith.constant 0 : i32
      %dma_wait3A_283 = arith.constant 0 : i32
      %dma_wait3A_284 = tpu.memref_slice %arg4[%dma_wait3A_282, %dma_wait3A_283] : memref<204800x128xf32, #tpu.memory_space<hbm>> -> memref<128x128xf32, #tpu.memory_space<hbm>>
      tpu.wait_dma2 semaphore(%arg16 : memref<!tpu.dma_semaphore, #tpu.memory_space<semaphore_mem>>) src(%arg6 : memref<128x128xf32, #tpu.memory_space<vmem>>) dst(%dma_wait3A_284 : memref<128x128xf32, #tpu.memory_space<hbm>>)
      %add3A_285 = arith.constant 5 : i32
      %add3A_286 = arith.addi %mul3A_168, %add3A_285 : i32
      %add3A_287 = arith.constant 0 : i32
      %add3A_288 = arith.addi %add3A_286, %add3A_287 : i32
      %dma_start3A_289 = arith.constant 0 : i32
      %dma_start3A_290 = tpu.memref_slice %arg5[%add3A_288, %dma_start3A_289] : memref<50x128xi32, #tpu.memory_space<vmem>> -> memref<1x128xi32, #tpu.memory_space<vmem>>
      %dma_start3A_291 = tpu.memref_squeeze %dma_start3A_290 : memref<1x128xi32, #tpu.memory_space<vmem>> -> memref<128xi32, #tpu.memory_space<vmem>>
      %dma_start3A_292 = arith.constant 0 : i32
      %dma_start3A_293 = arith.constant 0 : i32
      %dma_start3A_294 = tpu.memref_slice %arg2[%dma_start3A_292, %dma_start3A_293] : memref<100000x128xf32, #tpu.memory_space<hbm>> -> memref<100000x128xf32, #tpu.memory_space<hbm>>
      tpu.enqueue_indirect_dma source(%dma_start3A_294 : memref<100000x128xf32, #tpu.memory_space<hbm>>) target(%arg6 : memref<128x128xf32, #tpu.memory_space<vmem>>) offsets(%dma_start3A_291 : memref<128xi32, #tpu.memory_space<vmem>>) semaphore(%arg11 : memref<!tpu.dma_semaphore, #tpu.memory_space<semaphore_mem>>)
      %dma_wait3A_295 = arith.constant 0 : i32
      %dma_wait3A_296 = arith.constant 0 : i32
      %dma_wait3A_297 = tpu.memref_slice %arg4[%dma_wait3A_295, %dma_wait3A_296] : memref<204800x128xf32, #tpu.memory_space<hbm>> -> memref<128x128xf32, #tpu.memory_space<hbm>>
      %dma_wait3A_298 = arith.constant 0 : i32
      %dma_wait3A_299 = arith.constant 0 : i32
      %dma_wait3A_300 = tpu.memref_slice %arg4[%dma_wait3A_298, %dma_wait3A_299] : memref<204800x128xf32, #tpu.memory_space<hbm>> -> memref<128x128xf32, #tpu.memory_space<hbm>>
      tpu.wait_dma2 semaphore(%arg17 : memref<!tpu.dma_semaphore, #tpu.memory_space<semaphore_mem>>) src(%arg7 : memref<128x128xf32, #tpu.memory_space<vmem>>) dst(%dma_wait3A_300 : memref<128x128xf32, #tpu.memory_space<hbm>>)
      %add3A_301 = arith.constant 5 : i32
      %add3A_302 = arith.addi %mul3A_168, %add3A_301 : i32
      %add3A_303 = arith.constant 1 : i32
      %add3A_304 = arith.addi %add3A_302, %add3A_303 : i32
      %dma_start3A_305 = arith.constant 0 : i32
      %dma_start3A_306 = tpu.memref_slice %arg5[%add3A_304, %dma_start3A_305] : memref<50x128xi32, #tpu.memory_space<vmem>> -> memref<1x128xi32, #tpu.memory_space<vmem>>
      %dma_start3A_307 = tpu.memref_squeeze %dma_start3A_306 : memref<1x128xi32, #tpu.memory_space<vmem>> -> memref<128xi32, #tpu.memory_space<vmem>>
      %dma_start3A_308 = arith.constant 0 : i32
      %dma_start3A_309 = arith.constant 0 : i32
      %dma_start3A_310 = tpu.memref_slice %arg2[%dma_start3A_308, %dma_start3A_309] : memref<100000x128xf32, #tpu.memory_space<hbm>> -> memref<100000x128xf32, #tpu.memory_space<hbm>>
      tpu.enqueue_indirect_dma source(%dma_start3A_310 : memref<100000x128xf32, #tpu.memory_space<hbm>>) target(%arg7 : memref<128x128xf32, #tpu.memory_space<vmem>>) offsets(%dma_start3A_307 : memref<128xi32, #tpu.memory_space<vmem>>) semaphore(%arg12 : memref<!tpu.dma_semaphore, #tpu.memory_space<semaphore_mem>>)
      %dma_wait3A_311 = arith.constant 0 : i32
      %dma_wait3A_312 = arith.constant 0 : i32
      %dma_wait3A_313 = tpu.memref_slice %arg4[%dma_wait3A_311, %dma_wait3A_312] : memref<204800x128xf32, #tpu.memory_space<hbm>> -> memref<128x128xf32, #tpu.memory_space<hbm>>
      %dma_wait3A_314 = arith.constant 0 : i32
      %dma_wait3A_315 = arith.constant 0 : i32
      %dma_wait3A_316 = tpu.memref_slice %arg4[%dma_wait3A_314, %dma_wait3A_315] : memref<204800x128xf32, #tpu.memory_space<hbm>> -> memref<128x128xf32, #tpu.memory_space<hbm>>
      tpu.wait_dma2 semaphore(%arg18 : memref<!tpu.dma_semaphore, #tpu.memory_space<semaphore_mem>>) src(%arg8 : memref<128x128xf32, #tpu.memory_space<vmem>>) dst(%dma_wait3A_316 : memref<128x128xf32, #tpu.memory_space<hbm>>)
      %add3A_317 = arith.constant 5 : i32
      %add3A_318 = arith.addi %mul3A_168, %add3A_317 : i32
      %add3A_319 = arith.constant 2 : i32
      %add3A_320 = arith.addi %add3A_318, %add3A_319 : i32
      %dma_start3A_321 = arith.constant 0 : i32
      %dma_start3A_322 = tpu.memref_slice %arg5[%add3A_320, %dma_start3A_321] : memref<50x128xi32, #tpu.memory_space<vmem>> -> memref<1x128xi32, #tpu.memory_space<vmem>>
      %dma_start3A_323 = tpu.memref_squeeze %dma_start3A_322 : memref<1x128xi32, #tpu.memory_space<vmem>> -> memref<128xi32, #tpu.memory_space<vmem>>
      %dma_start3A_324 = arith.constant 0 : i32
      %dma_start3A_325 = arith.constant 0 : i32
      %dma_start3A_326 = tpu.memref_slice %arg2[%dma_start3A_324, %dma_start3A_325] : memref<100000x128xf32, #tpu.memory_space<hbm>> -> memref<100000x128xf32, #tpu.memory_space<hbm>>
      tpu.enqueue_indirect_dma source(%dma_start3A_326 : memref<100000x128xf32, #tpu.memory_space<hbm>>) target(%arg8 : memref<128x128xf32, #tpu.memory_space<vmem>>) offsets(%dma_start3A_323 : memref<128xi32, #tpu.memory_space<vmem>>) semaphore(%arg13 : memref<!tpu.dma_semaphore, #tpu.memory_space<semaphore_mem>>)
      %dma_wait3A_327 = arith.constant 0 : i32
      %dma_wait3A_328 = arith.constant 0 : i32
      %dma_wait3A_329 = tpu.memref_slice %arg4[%dma_wait3A_327, %dma_wait3A_328] : memref<204800x128xf32, #tpu.memory_space<hbm>> -> memref<128x128xf32, #tpu.memory_space<hbm>>
      %dma_wait3A_330 = arith.constant 0 : i32
      %dma_wait3A_331 = arith.constant 0 : i32
      %dma_wait3A_332 = tpu.memref_slice %arg4[%dma_wait3A_330, %dma_wait3A_331] : memref<204800x128xf32, #tpu.memory_space<hbm>> -> memref<128x128xf32, #tpu.memory_space<hbm>>
      tpu.wait_dma2 semaphore(%arg19 : memref<!tpu.dma_semaphore, #tpu.memory_space<semaphore_mem>>) src(%arg9 : memref<128x128xf32, #tpu.memory_space<vmem>>) dst(%dma_wait3A_332 : memref<128x128xf32, #tpu.memory_space<hbm>>)
      %add3A_333 = arith.constant 5 : i32
      %add3A_334 = arith.addi %mul3A_168, %add3A_333 : i32
      %add3A_335 = arith.constant 3 : i32
      %add3A_336 = arith.addi %add3A_334, %add3A_335 : i32
      %dma_start3A_337 = arith.constant 0 : i32
      %dma_start3A_338 = tpu.memref_slice %arg5[%add3A_336, %dma_start3A_337] : memref<50x128xi32, #tpu.memory_space<vmem>> -> memref<1x128xi32, #tpu.memory_space<vmem>>
      %dma_start3A_339 = tpu.memref_squeeze %dma_start3A_338 : memref<1x128xi32, #tpu.memory_space<vmem>> -> memref<128xi32, #tpu.memory_space<vmem>>
      %dma_start3A_340 = arith.constant 0 : i32
      %dma_start3A_341 = arith.constant 0 : i32
      %dma_start3A_342 = tpu.memref_slice %arg2[%dma_start3A_340, %dma_start3A_341] : memref<100000x128xf32, #tpu.memory_space<hbm>> -> memref<100000x128xf32, #tpu.memory_space<hbm>>
      tpu.enqueue_indirect_dma source(%dma_start3A_342 : memref<100000x128xf32, #tpu.memory_space<hbm>>) target(%arg9 : memref<128x128xf32, #tpu.memory_space<vmem>>) offsets(%dma_start3A_339 : memref<128xi32, #tpu.memory_space<vmem>>) semaphore(%arg14 : memref<!tpu.dma_semaphore, #tpu.memory_space<semaphore_mem>>)
      %dma_wait3A_343 = arith.constant 0 : i32
      %dma_wait3A_344 = arith.constant 0 : i32
      %dma_wait3A_345 = tpu.memref_slice %arg4[%dma_wait3A_343, %dma_wait3A_344] : memref<204800x128xf32, #tpu.memory_space<hbm>> -> memref<128x128xf32, #tpu.memory_space<hbm>>
      %dma_wait3A_346 = arith.constant 0 : i32
      %dma_wait3A_347 = arith.constant 0 : i32
      %dma_wait3A_348 = tpu.memref_slice %arg4[%dma_wait3A_346, %dma_wait3A_347] : memref<204800x128xf32, #tpu.memory_space<hbm>> -> memref<128x128xf32, #tpu.memory_space<hbm>>
      tpu.wait_dma2 semaphore(%arg20 : memref<!tpu.dma_semaphore, #tpu.memory_space<semaphore_mem>>) src(%arg10 : memref<128x128xf32, #tpu.memory_space<vmem>>) dst(%dma_wait3A_348 : memref<128x128xf32, #tpu.memory_space<hbm>>)
      %add3A_349 = arith.constant 5 : i32
      %add3A_350 = arith.addi %mul3A_168, %add3A_349 : i32
      %add3A_351 = arith.constant 4 : i32
      %add3A_352 = arith.addi %add3A_350, %add3A_351 : i32
      %dma_start3A_353 = arith.constant 0 : i32
      %dma_start3A_354 = tpu.memref_slice %arg5[%add3A_352, %dma_start3A_353] : memref<50x128xi32, #tpu.memory_space<vmem>> -> memref<1x128xi32, #tpu.memory_space<vmem>>
      %dma_start3A_355 = tpu.memref_squeeze %dma_start3A_354 : memref<1x128xi32, #tpu.memory_space<vmem>> -> memref<128xi32, #tpu.memory_space<vmem>>
      %dma_start3A_356 = arith.constant 0 : i32
      %dma_start3A_357 = arith.constant 0 : i32
      %dma_start3A_358 = tpu.memref_slice %arg2[%dma_start3A_356, %dma_start3A_357] : memref<100000x128xf32, #tpu.memory_space<hbm>> -> memref<100000x128xf32, #tpu.memory_space<hbm>>
      tpu.enqueue_indirect_dma source(%dma_start3A_358 : memref<100000x128xf32, #tpu.memory_space<hbm>>) target(%arg10 : memref<128x128xf32, #tpu.memory_space<vmem>>) offsets(%dma_start3A_355 : memref<128xi32, #tpu.memory_space<vmem>>) semaphore(%arg15 : memref<!tpu.dma_semaphore, #tpu.memory_space<semaphore_mem>>)
    }
    %scan3A_41 = arith.constant 9 : i32
    %dma_wait3A = arith.constant 0 : i32
    %dma_wait3A_42 = arith.constant 0 : i32
    %dma_wait3A_43 = tpu.memref_slice %arg5[%dma_wait3A, %dma_wait3A_42] : memref<50x128xi32, #tpu.memory_space<vmem>> -> memref<1x128xi32, #tpu.memory_space<vmem>>
    %dma_wait3A_44 = tpu.memref_squeeze %dma_wait3A_43 : memref<1x128xi32, #tpu.memory_space<vmem>> -> memref<128xi32, #tpu.memory_space<vmem>>
    %dma_wait3A_45 = arith.constant 0 : i32
    %dma_wait3A_46 = arith.constant 0 : i32
    %dma_wait3A_47 = tpu.memref_slice %arg2[%dma_wait3A_45, %dma_wait3A_46] : memref<100000x128xf32, #tpu.memory_space<hbm>> -> memref<100000x128xf32, #tpu.memory_space<hbm>>
    tpu.wait_indirect_dma semaphore(%arg11 : memref<!tpu.dma_semaphore, #tpu.memory_space<semaphore_mem>>) src(%dma_wait3A_47 : memref<100000x128xf32, #tpu.memory_space<hbm>>) dst(%arg6 : memref<128x128xf32, #tpu.memory_space<vmem>>)
    %scan3A_48 = arith.constant 0 : i32
    %scan3A_49 = arith.constant 0 : i32
    %scan3A_50 = arith.constant 128 : i32
    %scan3A_51 = arith.addi %scan3A_49, %scan3A_50 : i32
    %scan3A_52 = arith.constant 1 : i32
    scf.for %scan3A_166 = %scan3A_49 to %scan3A_51 step %scan3A_52  : i32 {
      %get3A = arith.index_cast %scan3A_166 : i32 to index
      %get3A_167 = arith.constant 0 : index
      %get3A_168 = tpu.vector_load %arg6[%get3A, %get3A_167] {strides = array<i32>} : memref<128x128xf32, #tpu.memory_space<vmem>>, vector<1x16xf32>,
      %get3A_169 = vector.shape_cast %get3A_168 : vector<1x16xf32> to vector<16xf32>
      %mul3A_170 = arith.constant 11.3137083 : f32
      %mul3A_171 = vector.broadcast %mul3A_170 : f32 to vector<16xf32>
      %mul3A_172 = arith.mulf %get3A_169, %mul3A_171 : vector<16xf32>
      %swap3A = arith.index_cast %scan3A_166 : i32 to index
      %swap3A_173 = arith.constant 0 : index
      %swap3A_174 = tpu.vector_load %arg6[%swap3A, %swap3A_173] {strides = array<i32>} : memref<128x128xf32, #tpu.memory_space<vmem>>, vector<1x16xf32>,
      %swap3A_175 = vector.shape_cast %swap3A_174 : vector<1x16xf32> to vector<16xf32>
      %swap3A_176 = vector.shape_cast %mul3A_172 : vector<16xf32> to vector<1x16xf32>
      tpu.vector_store %arg6[%swap3A, %swap3A_173], %swap3A_176 {strides = array<i32>} : memref<128x128xf32, #tpu.memory_space<vmem>>, vector<1x16xf32>,
      %get3A_177 = arith.index_cast %scan3A_166 : i32 to index
      %get3A_178 = arith.constant 16 : index
      %get3A_179 = tpu.vector_load %arg6[%get3A_177, %get3A_178] {strides = array<i32>} : memref<128x128xf32, #tpu.memory_space<vmem>>, vector<1x16xf32>,
      %get3A_180 = vector.shape_cast %get3A_179 : vector<1x16xf32> to vector<16xf32>
      %mul3A_181 = arith.constant 11.3137083 : f32
      %mul3A_182 = vector.broadcast %mul3A_181 : f32 to vector<16xf32>
      %mul3A_183 = arith.mulf %get3A_180, %mul3A_182 : vector<16xf32>
      %swap3A_184 = arith.index_cast %scan3A_166 : i32 to index
      %swap3A_185 = arith.constant 16 : index
      %swap3A_186 = tpu.vector_load %arg6[%swap3A_184, %swap3A_185] {strides = array<i32>} : memref<128x128xf32, #tpu.memory_space<vmem>>, vector<1x16xf32>,
      %swap3A_187 = vector.shape_cast %swap3A_186 : vector<1x16xf32> to vector<16xf32>
      %swap3A_188 = vector.shape_cast %mul3A_183 : vector<16xf32> to vector<1x16xf32>
      tpu.vector_store %arg6[%swap3A_184, %swap3A_185], %swap3A_188 {strides = array<i32>} : memref<128x128xf32, #tpu.memory_space<vmem>>, vector<1x16xf32>,
      %get3A_189 = arith.index_cast %scan3A_166 : i32 to index
      %get3A_190 = arith.constant 32 : index
      %get3A_191 = tpu.vector_load %arg6[%get3A_189, %get3A_190] {strides = array<i32>} : memref<128x128xf32, #tpu.memory_space<vmem>>, vector<1x16xf32>,
      %get3A_192 = vector.shape_cast %get3A_191 : vector<1x16xf32> to vector<16xf32>
      %mul3A_193 = arith.constant 11.3137083 : f32
      %mul3A_194 = vector.broadcast %mul3A_193 : f32 to vector<16xf32>
      %mul3A_195 = arith.mulf %get3A_192, %mul3A_194 : vector<16xf32>
      %swap3A_196 = arith.index_cast %scan3A_166 : i32 to index
      %swap3A_197 = arith.constant 32 : index
      %swap3A_198 = tpu.vector_load %arg6[%swap3A_196, %swap3A_197] {strides = array<i32>} : memref<128x128xf32, #tpu.memory_space<vmem>>, vector<1x16xf32>,
      %swap3A_199 = vector.shape_cast %swap3A_198 : vector<1x16xf32> to vector<16xf32>
      %swap3A_200 = vector.shape_cast %mul3A_195 : vector<16xf32> to vector<1x16xf32>
      tpu.vector_store %arg6[%swap3A_196, %swap3A_197], %swap3A_200 {strides = array<i32>} : memref<128x128xf32, #tpu.memory_space<vmem>>, vector<1x16xf32>,
      %get3A_201 = arith.index_cast %scan3A_166 : i32 to index
      %get3A_202 = arith.constant 48 : index
      %get3A_203 = tpu.vector_load %arg6[%get3A_201, %get3A_202] {strides = array<i32>} : memref<128x128xf32, #tpu.memory_space<vmem>>, vector<1x16xf32>,
      %get3A_204 = vector.shape_cast %get3A_203 : vector<1x16xf32> to vector<16xf32>
      %mul3A_205 = arith.constant 11.3137083 : f32
      %mul3A_206 = vector.broadcast %mul3A_205 : f32 to vector<16xf32>
      %mul3A_207 = arith.mulf %get3A_204, %mul3A_206 : vector<16xf32>
      %swap3A_208 = arith.index_cast %scan3A_166 : i32 to index
      %swap3A_209 = arith.constant 48 : index
      %swap3A_210 = tpu.vector_load %arg6[%swap3A_208, %swap3A_209] {strides = array<i32>} : memref<128x128xf32, #tpu.memory_space<vmem>>, vector<1x16xf32>,
      %swap3A_211 = vector.shape_cast %swap3A_210 : vector<1x16xf32> to vector<16xf32>
      %swap3A_212 = vector.shape_cast %mul3A_207 : vector<16xf32> to vector<1x16xf32>
      tpu.vector_store %arg6[%swap3A_208, %swap3A_209], %swap3A_212 {strides = array<i32>} : memref<128x128xf32, #tpu.memory_space<vmem>>, vector<1x16xf32>,
      %get3A_213 = arith.index_cast %scan3A_166 : i32 to index
      %get3A_214 = arith.constant 64 : index
      %get3A_215 = tpu.vector_load %arg6[%get3A_213, %get3A_214] {strides = array<i32>} : memref<128x128xf32, #tpu.memory_space<vmem>>, vector<1x16xf32>,
      %get3A_216 = vector.shape_cast %get3A_215 : vector<1x16xf32> to vector<16xf32>
      %mul3A_217 = arith.constant 11.3137083 : f32
      %mul3A_218 = vector.broadcast %mul3A_217 : f32 to vector<16xf32>
      %mul3A_219 = arith.mulf %get3A_216, %mul3A_218 : vector<16xf32>
      %swap3A_220 = arith.index_cast %scan3A_166 : i32 to index
      %swap3A_221 = arith.constant 64 : index
      %swap3A_222 = tpu.vector_load %arg6[%swap3A_220, %swap3A_221] {strides = array<i32>} : memref<128x128xf32, #tpu.memory_space<vmem>>, vector<1x16xf32>,
      %swap3A_223 = vector.shape_cast %swap3A_222 : vector<1x16xf32> to vector<16xf32>
      %swap3A_224 = vector.shape_cast %mul3A_219 : vector<16xf32> to vector<1x16xf32>
      tpu.vector_store %arg6[%swap3A_220, %swap3A_221], %swap3A_224 {strides = array<i32>} : memref<128x128xf32, #tpu.memory_space<vmem>>, vector<1x16xf32>,
      %get3A_225 = arith.index_cast %scan3A_166 : i32 to index
      %get3A_226 = arith.constant 80 : index
      %get3A_227 = tpu.vector_load %arg6[%get3A_225, %get3A_226] {strides = array<i32>} : memref<128x128xf32, #tpu.memory_space<vmem>>, vector<1x16xf32>,
      %get3A_228 = vector.shape_cast %get3A_227 : vector<1x16xf32> to vector<16xf32>
      %mul3A_229 = arith.constant 11.3137083 : f32
      %mul3A_230 = vector.broadcast %mul3A_229 : f32 to vector<16xf32>
      %mul3A_231 = arith.mulf %get3A_228, %mul3A_230 : vector<16xf32>
      %swap3A_232 = arith.index_cast %scan3A_166 : i32 to index
      %swap3A_233 = arith.constant 80 : index
      %swap3A_234 = tpu.vector_load %arg6[%swap3A_232, %swap3A_233] {strides = array<i32>} : memref<128x128xf32, #tpu.memory_space<vmem>>, vector<1x16xf32>,
      %swap3A_235 = vector.shape_cast %swap3A_234 : vector<1x16xf32> to vector<16xf32>
      %swap3A_236 = vector.shape_cast %mul3A_231 : vector<16xf32> to vector<1x16xf32>
      tpu.vector_store %arg6[%swap3A_232, %swap3A_233], %swap3A_236 {strides = array<i32>} : memref<128x128xf32, #tpu.memory_space<vmem>>, vector<1x16xf32>,
      %get3A_237 = arith.index_cast %scan3A_166 : i32 to index
      %get3A_238 = arith.constant 96 : index
      %get3A_239 = tpu.vector_load %arg6[%get3A_237, %get3A_238] {strides = array<i32>} : memref<128x128xf32, #tpu.memory_space<vmem>>, vector<1x16xf32>,
      %get3A_240 = vector.shape_cast %get3A_239 : vector<1x16xf32> to vector<16xf32>
      %mul3A_241 = arith.constant 11.3137083 : f32
      %mul3A_242 = vector.broadcast %mul3A_241 : f32 to vector<16xf32>
      %mul3A_243 = arith.mulf %get3A_240, %mul3A_242 : vector<16xf32>
      %swap3A_244 = arith.index_cast %scan3A_166 : i32 to index
      %swap3A_245 = arith.constant 96 : index
      %swap3A_246 = tpu.vector_load %arg6[%swap3A_244, %swap3A_245] {strides = array<i32>} : memref<128x128xf32, #tpu.memory_space<vmem>>, vector<1x16xf32>,
      %swap3A_247 = vector.shape_cast %swap3A_246 : vector<1x16xf32> to vector<16xf32>
      %swap3A_248 = vector.shape_cast %mul3A_243 : vector<16xf32> to vector<1x16xf32>
      tpu.vector_store %arg6[%swap3A_244, %swap3A_245], %swap3A_248 {strides = array<i32>} : memref<128x128xf32, #tpu.memory_space<vmem>>, vector<1x16xf32>,
      %get3A_249 = arith.index_cast %scan3A_166 : i32 to index
      %get3A_250 = arith.constant 112 : index
      %get3A_251 = tpu.vector_load %arg6[%get3A_249, %get3A_250] {strides = array<i32>} : memref<128x128xf32, #tpu.memory_space<vmem>>, vector<1x16xf32>,
      %get3A_252 = vector.shape_cast %get3A_251 : vector<1x16xf32> to vector<16xf32>
      %mul3A_253 = arith.constant 11.3137083 : f32
      %mul3A_254 = vector.broadcast %mul3A_253 : f32 to vector<16xf32>
      %mul3A_255 = arith.mulf %get3A_252, %mul3A_254 : vector<16xf32>
      %swap3A_256 = arith.index_cast %scan3A_166 : i32 to index
      %swap3A_257 = arith.constant 112 : index
      %swap3A_258 = tpu.vector_load %arg6[%swap3A_256, %swap3A_257] {strides = array<i32>} : memref<128x128xf32, #tpu.memory_space<vmem>>, vector<1x16xf32>,
      %swap3A_259 = vector.shape_cast %swap3A_258 : vector<1x16xf32> to vector<16xf32>
      %swap3A_260 = vector.shape_cast %mul3A_255 : vector<16xf32> to vector<1x16xf32>
      tpu.vector_store %arg6[%swap3A_256, %swap3A_257], %swap3A_260 {strides = array<i32>} : memref<128x128xf32, #tpu.memory_space<vmem>>, vector<1x16xf32>,
    }
    %scan3A_53 = arith.constant 128 : i32
    %add3A_54 = arith.constant 5760 : i32
    %add3A_55 = arith.addi %mul3A_2, %add3A_54 : i32
    %dma_start3A_56 = arith.constant 0 : i32
    %dma_start3A_57 = tpu.memref_slice %arg4[%add3A_55, %dma_start3A_56] : memref<204800x128xf32, #tpu.memory_space<hbm>> -> memref<128x128xf32, #tpu.memory_space<hbm>>
    %dma_start3A_58 = arith.constant 0 : i32
    %dma_start3A_59 = tpu.memref_slice %arg4[%add3A_55, %dma_start3A_58] : memref<204800x128xf32, #tpu.memory_space<hbm>> -> memref<128x128xf32, #tpu.memory_space<hbm>>
    tpu.enqueue_dma source(%arg6 : memref<128x128xf32, #tpu.memory_space<vmem>>) target(%dma_start3A_59 : memref<128x128xf32, #tpu.memory_space<hbm>>) target_semaphore(%arg16 : memref<!tpu.dma_semaphore, #tpu.memory_space<semaphore_mem>>)
    %dma_wait3A_60 = arith.constant 0 : i32
    %dma_wait3A_61 = arith.constant 0 : i32
    %dma_wait3A_62 = tpu.memref_slice %arg5[%dma_wait3A_60, %dma_wait3A_61] : memref<50x128xi32, #tpu.memory_space<vmem>> -> memref<1x128xi32, #tpu.memory_space<vmem>>
    %dma_wait3A_63 = tpu.memref_squeeze %dma_wait3A_62 : memref<1x128xi32, #tpu.memory_space<vmem>> -> memref<128xi32, #tpu.memory_space<vmem>>
    %dma_wait3A_64 = arith.constant 0 : i32
    %dma_wait3A_65 = arith.constant 0 : i32
    %dma_wait3A_66 = tpu.memref_slice %arg2[%dma_wait3A_64, %dma_wait3A_65] : memref<100000x128xf32, #tpu.memory_space<hbm>> -> memref<100000x128xf32, #tpu.memory_space<hbm>>
    tpu.wait_indirect_dma semaphore(%arg12 : memref<!tpu.dma_semaphore, #tpu.memory_space<semaphore_mem>>) src(%dma_wait3A_66 : memref<100000x128xf32, #tpu.memory_space<hbm>>) dst(%arg7 : memref<128x128xf32, #tpu.memory_space<vmem>>)
    %scan3A_67 = arith.constant 0 : i32
    %scan3A_68 = arith.constant 0 : i32
    %scan3A_69 = arith.constant 128 : i32
    %scan3A_70 = arith.addi %scan3A_68, %scan3A_69 : i32
    %scan3A_71 = arith.constant 1 : i32
    scf.for %scan3A_166 = %scan3A_68 to %scan3A_70 step %scan3A_71  : i32 {
      %get3A = arith.index_cast %scan3A_166 : i32 to index
      %get3A_167 = arith.constant 0 : index
      %get3A_168 = tpu.vector_load %arg7[%get3A, %get3A_167] {strides = array<i32>} : memref<128x128xf32, #tpu.memory_space<vmem>>, vector<1x16xf32>,
      %get3A_169 = vector.shape_cast %get3A_168 : vector<1x16xf32> to vector<16xf32>
      %mul3A_170 = arith.constant 11.3137083 : f32
      %mul3A_171 = vector.broadcast %mul3A_170 : f32 to vector<16xf32>
      %mul3A_172 = arith.mulf %get3A_169, %mul3A_171 : vector<16xf32>
      %swap3A = arith.index_cast %scan3A_166 : i32 to index
      %swap3A_173 = arith.constant 0 : index
      %swap3A_174 = tpu.vector_load %arg7[%swap3A, %swap3A_173] {strides = array<i32>} : memref<128x128xf32, #tpu.memory_space<vmem>>, vector<1x16xf32>,
      %swap3A_175 = vector.shape_cast %swap3A_174 : vector<1x16xf32> to vector<16xf32>
      %swap3A_176 = vector.shape_cast %mul3A_172 : vector<16xf32> to vector<1x16xf32>
      tpu.vector_store %arg7[%swap3A, %swap3A_173], %swap3A_176 {strides = array<i32>} : memref<128x128xf32, #tpu.memory_space<vmem>>, vector<1x16xf32>,
      %get3A_177 = arith.index_cast %scan3A_166 : i32 to index
      %get3A_178 = arith.constant 16 : index
      %get3A_179 = tpu.vector_load %arg7[%get3A_177, %get3A_178] {strides = array<i32>} : memref<128x128xf32, #tpu.memory_space<vmem>>, vector<1x16xf32>,
      %get3A_180 = vector.shape_cast %get3A_179 : vector<1x16xf32> to vector<16xf32>
      %mul3A_181 = arith.constant 11.3137083 : f32
      %mul3A_182 = vector.broadcast %mul3A_181 : f32 to vector<16xf32>
      %mul3A_183 = arith.mulf %get3A_180, %mul3A_182 : vector<16xf32>
      %swap3A_184 = arith.index_cast %scan3A_166 : i32 to index
      %swap3A_185 = arith.constant 16 : index
      %swap3A_186 = tpu.vector_load %arg7[%swap3A_184, %swap3A_185] {strides = array<i32>} : memref<128x128xf32, #tpu.memory_space<vmem>>, vector<1x16xf32>,
      %swap3A_187 = vector.shape_cast %swap3A_186 : vector<1x16xf32> to vector<16xf32>
      %swap3A_188 = vector.shape_cast %mul3A_183 : vector<16xf32> to vector<1x16xf32>
      tpu.vector_store %arg7[%swap3A_184, %swap3A_185], %swap3A_188 {strides = array<i32>} : memref<128x128xf32, #tpu.memory_space<vmem>>, vector<1x16xf32>,
      %get3A_189 = arith.index_cast %scan3A_166 : i32 to index
      %get3A_190 = arith.constant 32 : index
      %get3A_191 = tpu.vector_load %arg7[%get3A_189, %get3A_190] {strides = array<i32>} : memref<128x128xf32, #tpu.memory_space<vmem>>, vector<1x16xf32>,
      %get3A_192 = vector.shape_cast %get3A_191 : vector<1x16xf32> to vector<16xf32>
      %mul3A_193 = arith.constant 11.3137083 : f32
      %mul3A_194 = vector.broadcast %mul3A_193 : f32 to vector<16xf32>
      %mul3A_195 = arith.mulf %get3A_192, %mul3A_194 : vector<16xf32>
      %swap3A_196 = arith.index_cast %scan3A_166 : i32 to index
      %swap3A_197 = arith.constant 32 : index
      %swap3A_198 = tpu.vector_load %arg7[%swap3A_196, %swap3A_197] {strides = array<i32>} : memref<128x128xf32, #tpu.memory_space<vmem>>, vector<1x16xf32>,
      %swap3A_199 = vector.shape_cast %swap3A_198 : vector<1x16xf32> to vector<16xf32>
      %swap3A_200 = vector.shape_cast %mul3A_195 : vector<16xf32> to vector<1x16xf32>
      tpu.vector_store %arg7[%swap3A_196, %swap3A_197], %swap3A_200 {strides = array<i32>} : memref<128x128xf32, #tpu.memory_space<vmem>>, vector<1x16xf32>,
      %get3A_201 = arith.index_cast %scan3A_166 : i32 to index
      %get3A_202 = arith.constant 48 : index
      %get3A_203 = tpu.vector_load %arg7[%get3A_201, %get3A_202] {strides = array<i32>} : memref<128x128xf32, #tpu.memory_space<vmem>>, vector<1x16xf32>,
      %get3A_204 = vector.shape_cast %get3A_203 : vector<1x16xf32> to vector<16xf32>
      %mul3A_205 = arith.constant 11.3137083 : f32
      %mul3A_206 = vector.broadcast %mul3A_205 : f32 to vector<16xf32>
      %mul3A_207 = arith.mulf %get3A_204, %mul3A_206 : vector<16xf32>
      %swap3A_208 = arith.index_cast %scan3A_166 : i32 to index
      %swap3A_209 = arith.constant 48 : index
      %swap3A_210 = tpu.vector_load %arg7[%swap3A_208, %swap3A_209] {strides = array<i32>} : memref<128x128xf32, #tpu.memory_space<vmem>>, vector<1x16xf32>,
      %swap3A_211 = vector.shape_cast %swap3A_210 : vector<1x16xf32> to vector<16xf32>
      %swap3A_212 = vector.shape_cast %mul3A_207 : vector<16xf32> to vector<1x16xf32>
      tpu.vector_store %arg7[%swap3A_208, %swap3A_209], %swap3A_212 {strides = array<i32>} : memref<128x128xf32, #tpu.memory_space<vmem>>, vector<1x16xf32>,
      %get3A_213 = arith.index_cast %scan3A_166 : i32 to index
      %get3A_214 = arith.constant 64 : index
      %get3A_215 = tpu.vector_load %arg7[%get3A_213, %get3A_214] {strides = array<i32>} : memref<128x128xf32, #tpu.memory_space<vmem>>, vector<1x16xf32>,
      %get3A_216 = vector.shape_cast %get3A_215 : vector<1x16xf32> to vector<16xf32>
      %mul3A_217 = arith.constant 11.3137083 : f32
      %mul3A_218 = vector.broadcast %mul3A_217 : f32 to vector<16xf32>
      %mul3A_219 = arith.mulf %get3A_216, %mul3A_218 : vector<16xf32>
      %swap3A_220 = arith.index_cast %scan3A_166 : i32 to index
      %swap3A_221 = arith.constant 64 : index
      %swap3A_222 = tpu.vector_load %arg7[%swap3A_220, %swap3A_221] {strides = array<i32>} : memref<128x128xf32, #tpu.memory_space<vmem>>, vector<1x16xf32>,
      %swap3A_223 = vector.shape_cast %swap3A_222 : vector<1x16xf32> to vector<16xf32>
      %swap3A_224 = vector.shape_cast %mul3A_219 : vector<16xf32> to vector<1x16xf32>
      tpu.vector_store %arg7[%swap3A_220, %swap3A_221], %swap3A_224 {strides = array<i32>} : memref<128x128xf32, #tpu.memory_space<vmem>>, vector<1x16xf32>,
      %get3A_225 = arith.index_cast %scan3A_166 : i32 to index
      %get3A_226 = arith.constant 80 : index
      %get3A_227 = tpu.vector_load %arg7[%get3A_225, %get3A_226] {strides = array<i32>} : memref<128x128xf32, #tpu.memory_space<vmem>>, vector<1x16xf32>,
      %get3A_228 = vector.shape_cast %get3A_227 : vector<1x16xf32> to vector<16xf32>
      %mul3A_229 = arith.constant 11.3137083 : f32
      %mul3A_230 = vector.broadcast %mul3A_229 : f32 to vector<16xf32>
      %mul3A_231 = arith.mulf %get3A_228, %mul3A_230 : vector<16xf32>
      %swap3A_232 = arith.index_cast %scan3A_166 : i32 to index
      %swap3A_233 = arith.constant 80 : index
      %swap3A_234 = tpu.vector_load %arg7[%swap3A_232, %swap3A_233] {strides = array<i32>} : memref<128x128xf32, #tpu.memory_space<vmem>>, vector<1x16xf32>,
      %swap3A_235 = vector.shape_cast %swap3A_234 : vector<1x16xf32> to vector<16xf32>
      %swap3A_236 = vector.shape_cast %mul3A_231 : vector<16xf32> to vector<1x16xf32>
      tpu.vector_store %arg7[%swap3A_232, %swap3A_233], %swap3A_236 {strides = array<i32>} : memref<128x128xf32, #tpu.memory_space<vmem>>, vector<1x16xf32>,
      %get3A_237 = arith.index_cast %scan3A_166 : i32 to index
      %get3A_238 = arith.constant 96 : index
      %get3A_239 = tpu.vector_load %arg7[%get3A_237, %get3A_238] {strides = array<i32>} : memref<128x128xf32, #tpu.memory_space<vmem>>, vector<1x16xf32>,
      %get3A_240 = vector.shape_cast %get3A_239 : vector<1x16xf32> to vector<16xf32>
      %mul3A_241 = arith.constant 11.3137083 : f32
      %mul3A_242 = vector.broadcast %mul3A_241 : f32 to vector<16xf32>
      %mul3A_243 = arith.mulf %get3A_240, %mul3A_242 : vector<16xf32>
      %swap3A_244 = arith.index_cast %scan3A_166 : i32 to index
      %swap3A_245 = arith.constant 96 : index
      %swap3A_246 = tpu.vector_load %arg7[%swap3A_244, %swap3A_245] {strides = array<i32>} : memref<128x128xf32, #tpu.memory_space<vmem>>, vector<1x16xf32>,
      %swap3A_247 = vector.shape_cast %swap3A_246 : vector<1x16xf32> to vector<16xf32>
      %swap3A_248 = vector.shape_cast %mul3A_243 : vector<16xf32> to vector<1x16xf32>
      tpu.vector_store %arg7[%swap3A_244, %swap3A_245], %swap3A_248 {strides = array<i32>} : memref<128x128xf32, #tpu.memory_space<vmem>>, vector<1x16xf32>,
      %get3A_249 = arith.index_cast %scan3A_166 : i32 to index
      %get3A_250 = arith.constant 112 : index
      %get3A_251 = tpu.vector_load %arg7[%get3A_249, %get3A_250] {strides = array<i32>} : memref<128x128xf32, #tpu.memory_space<vmem>>, vector<1x16xf32>,
      %get3A_252 = vector.shape_cast %get3A_251 : vector<1x16xf32> to vector<16xf32>
      %mul3A_253 = arith.constant 11.3137083 : f32
      %mul3A_254 = vector.broadcast %mul3A_253 : f32 to vector<16xf32>
      %mul3A_255 = arith.mulf %get3A_252, %mul3A_254 : vector<16xf32>
      %swap3A_256 = arith.index_cast %scan3A_166 : i32 to index
      %swap3A_257 = arith.constant 112 : index
      %swap3A_258 = tpu.vector_load %arg7[%swap3A_256, %swap3A_257] {strides = array<i32>} : memref<128x128xf32, #tpu.memory_space<vmem>>, vector<1x16xf32>,
      %swap3A_259 = vector.shape_cast %swap3A_258 : vector<1x16xf32> to vector<16xf32>
      %swap3A_260 = vector.shape_cast %mul3A_255 : vector<16xf32> to vector<1x16xf32>
      tpu.vector_store %arg7[%swap3A_256, %swap3A_257], %swap3A_260 {strides = array<i32>} : memref<128x128xf32, #tpu.memory_space<vmem>>, vector<1x16xf32>,
    }
    %scan3A_72 = arith.constant 128 : i32
    %add3A_73 = arith.constant 5888 : i32
    %add3A_74 = arith.addi %mul3A_2, %add3A_73 : i32
    %dma_start3A_75 = arith.constant 0 : i32
    %dma_start3A_76 = tpu.memref_slice %arg4[%add3A_74, %dma_start3A_75] : memref<204800x128xf32, #tpu.memory_space<hbm>> -> memref<128x128xf32, #tpu.memory_space<hbm>>
    %dma_start3A_77 = arith.constant 0 : i32
    %dma_start3A_78 = tpu.memref_slice %arg4[%add3A_74, %dma_start3A_77] : memref<204800x128xf32, #tpu.memory_space<hbm>> -> memref<128x128xf32, #tpu.memory_space<hbm>>
    tpu.enqueue_dma source(%arg7 : memref<128x128xf32, #tpu.memory_space<vmem>>) target(%dma_start3A_78 : memref<128x128xf32, #tpu.memory_space<hbm>>) target_semaphore(%arg17 : memref<!tpu.dma_semaphore, #tpu.memory_space<semaphore_mem>>)
    %dma_wait3A_79 = arith.constant 0 : i32
    %dma_wait3A_80 = arith.constant 0 : i32
    %dma_wait3A_81 = tpu.memref_slice %arg5[%dma_wait3A_79, %dma_wait3A_80] : memref<50x128xi32, #tpu.memory_space<vmem>> -> memref<1x128xi32, #tpu.memory_space<vmem>>
    %dma_wait3A_82 = tpu.memref_squeeze %dma_wait3A_81 : memref<1x128xi32, #tpu.memory_space<vmem>> -> memref<128xi32, #tpu.memory_space<vmem>>
    %dma_wait3A_83 = arith.constant 0 : i32
    %dma_wait3A_84 = arith.constant 0 : i32
    %dma_wait3A_85 = tpu.memref_slice %arg2[%dma_wait3A_83, %dma_wait3A_84] : memref<100000x128xf32, #tpu.memory_space<hbm>> -> memref<100000x128xf32, #tpu.memory_space<hbm>>
    tpu.wait_indirect_dma semaphore(%arg13 : memref<!tpu.dma_semaphore, #tpu.memory_space<semaphore_mem>>) src(%dma_wait3A_85 : memref<100000x128xf32, #tpu.memory_space<hbm>>) dst(%arg8 : memref<128x128xf32, #tpu.memory_space<vmem>>)
    %scan3A_86 = arith.constant 0 : i32
    %scan3A_87 = arith.constant 0 : i32
    %scan3A_88 = arith.constant 128 : i32
    %scan3A_89 = arith.addi %scan3A_87, %scan3A_88 : i32
    %scan3A_90 = arith.constant 1 : i32
    scf.for %scan3A_166 = %scan3A_87 to %scan3A_89 step %scan3A_90  : i32 {
      %get3A = arith.index_cast %scan3A_166 : i32 to index
      %get3A_167 = arith.constant 0 : index
      %get3A_168 = tpu.vector_load %arg8[%get3A, %get3A_167] {strides = array<i32>} : memref<128x128xf32, #tpu.memory_space<vmem>>, vector<1x16xf32>,
      %get3A_169 = vector.shape_cast %get3A_168 : vector<1x16xf32> to vector<16xf32>
      %mul3A_170 = arith.constant 11.3137083 : f32
      %mul3A_171 = vector.broadcast %mul3A_170 : f32 to vector<16xf32>
      %mul3A_172 = arith.mulf %get3A_169, %mul3A_171 : vector<16xf32>
      %swap3A = arith.index_cast %scan3A_166 : i32 to index
      %swap3A_173 = arith.constant 0 : index
      %swap3A_174 = tpu.vector_load %arg8[%swap3A, %swap3A_173] {strides = array<i32>} : memref<128x128xf32, #tpu.memory_space<vmem>>, vector<1x16xf32>,
      %swap3A_175 = vector.shape_cast %swap3A_174 : vector<1x16xf32> to vector<16xf32>
      %swap3A_176 = vector.shape_cast %mul3A_172 : vector<16xf32> to vector<1x16xf32>
      tpu.vector_store %arg8[%swap3A, %swap3A_173], %swap3A_176 {strides = array<i32>} : memref<128x128xf32, #tpu.memory_space<vmem>>, vector<1x16xf32>,
      %get3A_177 = arith.index_cast %scan3A_166 : i32 to index
      %get3A_178 = arith.constant 16 : index
      %get3A_179 = tpu.vector_load %arg8[%get3A_177, %get3A_178] {strides = array<i32>} : memref<128x128xf32, #tpu.memory_space<vmem>>, vector<1x16xf32>,
      %get3A_180 = vector.shape_cast %get3A_179 : vector<1x16xf32> to vector<16xf32>
      %mul3A_181 = arith.constant 11.3137083 : f32
      %mul3A_182 = vector.broadcast %mul3A_181 : f32 to vector<16xf32>
      %mul3A_183 = arith.mulf %get3A_180, %mul3A_182 : vector<16xf32>
      %swap3A_184 = arith.index_cast %scan3A_166 : i32 to index
      %swap3A_185 = arith.constant 16 : index
      %swap3A_186 = tpu.vector_load %arg8[%swap3A_184, %swap3A_185] {strides = array<i32>} : memref<128x128xf32, #tpu.memory_space<vmem>>, vector<1x16xf32>,
      %swap3A_187 = vector.shape_cast %swap3A_186 : vector<1x16xf32> to vector<16xf32>
      %swap3A_188 = vector.shape_cast %mul3A_183 : vector<16xf32> to vector<1x16xf32>
      tpu.vector_store %arg8[%swap3A_184, %swap3A_185], %swap3A_188 {strides = array<i32>} : memref<128x128xf32, #tpu.memory_space<vmem>>, vector<1x16xf32>,
      %get3A_189 = arith.index_cast %scan3A_166 : i32 to index
      %get3A_190 = arith.constant 32 : index
      %get3A_191 = tpu.vector_load %arg8[%get3A_189, %get3A_190] {strides = array<i32>} : memref<128x128xf32, #tpu.memory_space<vmem>>, vector<1x16xf32>,
      %get3A_192 = vector.shape_cast %get3A_191 : vector<1x16xf32> to vector<16xf32>
      %mul3A_193 = arith.constant 11.3137083 : f32
      %mul3A_194 = vector.broadcast %mul3A_193 : f32 to vector<16xf32>
      %mul3A_195 = arith.mulf %get3A_192, %mul3A_194 : vector<16xf32>
      %swap3A_196 = arith.index_cast %scan3A_166 : i32 to index
      %swap3A_197 = arith.constant 32 : index
      %swap3A_198 = tpu.vector_load %arg8[%swap3A_196, %swap3A_197] {strides = array<i32>} : memref<128x128xf32, #tpu.memory_space<vmem>>, vector<1x16xf32>,
      %swap3A_199 = vector.shape_cast %swap3A_198 : vector<1x16xf32> to vector<16xf32>
      %swap3A_200 = vector.shape_cast %mul3A_195 : vector<16xf32> to vector<1x16xf32>
      tpu.vector_store %arg8[%swap3A_196, %swap3A_197], %swap3A_200 {strides = array<i32>} : memref<128x128xf32, #tpu.memory_space<vmem>>, vector<1x16xf32>,
      %get3A_201 = arith.index_cast %scan3A_166 : i32 to index
      %get3A_202 = arith.constant 48 : index
      %get3A_203 = tpu.vector_load %arg8[%get3A_201, %get3A_202] {strides = array<i32>} : memref<128x128xf32, #tpu.memory_space<vmem>>, vector<1x16xf32>,
      %get3A_204 = vector.shape_cast %get3A_203 : vector<1x16xf32> to vector<16xf32>
      %mul3A_205 = arith.constant 11.3137083 : f32
      %mul3A_206 = vector.broadcast %mul3A_205 : f32 to vector<16xf32>
      %mul3A_207 = arith.mulf %get3A_204, %mul3A_206 : vector<16xf32>
      %swap3A_208 = arith.index_cast %scan3A_166 : i32 to index
      %swap3A_209 = arith.constant 48 : index
      %swap3A_210 = tpu.vector_load %arg8[%swap3A_208, %swap3A_209] {strides = array<i32>} : memref<128x128xf32, #tpu.memory_space<vmem>>, vector<1x16xf32>,
      %swap3A_211 = vector.shape_cast %swap3A_210 : vector<1x16xf32> to vector<16xf32>
      %swap3A_212 = vector.shape_cast %mul3A_207 : vector<16xf32> to vector<1x16xf32>
      tpu.vector_store %arg8[%swap3A_208, %swap3A_209], %swap3A_212 {strides = array<i32>} : memref<128x128xf32, #tpu.memory_space<vmem>>, vector<1x16xf32>,
      %get3A_213 = arith.index_cast %scan3A_166 : i32 to index
      %get3A_214 = arith.constant 64 : index
      %get3A_215 = tpu.vector_load %arg8[%get3A_213, %get3A_214] {strides = array<i32>} : memref<128x128xf32, #tpu.memory_space<vmem>>, vector<1x16xf32>,
      %get3A_216 = vector.shape_cast %get3A_215 : vector<1x16xf32> to vector<16xf32>
      %mul3A_217 = arith.constant 11.3137083 : f32
      %mul3A_218 = vector.broadcast %mul3A_217 : f32 to vector<16xf32>
      %mul3A_219 = arith.mulf %get3A_216, %mul3A_218 : vector<16xf32>
      %swap3A_220 = arith.index_cast %scan3A_166 : i32 to index
      %swap3A_221 = arith.constant 64 : index
      %swap3A_222 = tpu.vector_load %arg8[%swap3A_220, %swap3A_221] {strides = array<i32>} : memref<128x128xf32, #tpu.memory_space<vmem>>, vector<1x16xf32>,
      %swap3A_223 = vector.shape_cast %swap3A_222 : vector<1x16xf32> to vector<16xf32>
      %swap3A_224 = vector.shape_cast %mul3A_219 : vector<16xf32> to vector<1x16xf32>
      tpu.vector_store %arg8[%swap3A_220, %swap3A_221], %swap3A_224 {strides = array<i32>} : memref<128x128xf32, #tpu.memory_space<vmem>>, vector<1x16xf32>,
      %get3A_225 = arith.index_cast %scan3A_166 : i32 to index
      %get3A_226 = arith.constant 80 : index
      %get3A_227 = tpu.vector_load %arg8[%get3A_225, %get3A_226] {strides = array<i32>} : memref<128x128xf32, #tpu.memory_space<vmem>>, vector<1x16xf32>,
      %get3A_228 = vector.shape_cast %get3A_227 : vector<1x16xf32> to vector<16xf32>
      %mul3A_229 = arith.constant 11.3137083 : f32
      %mul3A_230 = vector.broadcast %mul3A_229 : f32 to vector<16xf32>
      %mul3A_231 = arith.mulf %get3A_228, %mul3A_230 : vector<16xf32>
      %swap3A_232 = arith.index_cast %scan3A_166 : i32 to index
      %swap3A_233 = arith.constant 80 : index
      %swap3A_234 = tpu.vector_load %arg8[%swap3A_232, %swap3A_233] {strides = array<i32>} : memref<128x128xf32, #tpu.memory_space<vmem>>, vector<1x16xf32>,
      %swap3A_235 = vector.shape_cast %swap3A_234 : vector<1x16xf32> to vector<16xf32>
      %swap3A_236 = vector.shape_cast %mul3A_231 : vector<16xf32> to vector<1x16xf32>
      tpu.vector_store %arg8[%swap3A_232, %swap3A_233], %swap3A_236 {strides = array<i32>} : memref<128x128xf32, #tpu.memory_space<vmem>>, vector<1x16xf32>,
      %get3A_237 = arith.index_cast %scan3A_166 : i32 to index
      %get3A_238 = arith.constant 96 : index
      %get3A_239 = tpu.vector_load %arg8[%get3A_237, %get3A_238] {strides = array<i32>} : memref<128x128xf32, #tpu.memory_space<vmem>>, vector<1x16xf32>,
      %get3A_240 = vector.shape_cast %get3A_239 : vector<1x16xf32> to vector<16xf32>
      %mul3A_241 = arith.constant 11.3137083 : f32
      %mul3A_242 = vector.broadcast %mul3A_241 : f32 to vector<16xf32>
      %mul3A_243 = arith.mulf %get3A_240, %mul3A_242 : vector<16xf32>
      %swap3A_244 = arith.index_cast %scan3A_166 : i32 to index
      %swap3A_245 = arith.constant 96 : index
      %swap3A_246 = tpu.vector_load %arg8[%swap3A_244, %swap3A_245] {strides = array<i32>} : memref<128x128xf32, #tpu.memory_space<vmem>>, vector<1x16xf32>,
      %swap3A_247 = vector.shape_cast %swap3A_246 : vector<1x16xf32> to vector<16xf32>
      %swap3A_248 = vector.shape_cast %mul3A_243 : vector<16xf32> to vector<1x16xf32>
      tpu.vector_store %arg8[%swap3A_244, %swap3A_245], %swap3A_248 {strides = array<i32>} : memref<128x128xf32, #tpu.memory_space<vmem>>, vector<1x16xf32>,
      %get3A_249 = arith.index_cast %scan3A_166 : i32 to index
      %get3A_250 = arith.constant 112 : index
      %get3A_251 = tpu.vector_load %arg8[%get3A_249, %get3A_250] {strides = array<i32>} : memref<128x128xf32, #tpu.memory_space<vmem>>, vector<1x16xf32>,
      %get3A_252 = vector.shape_cast %get3A_251 : vector<1x16xf32> to vector<16xf32>
      %mul3A_253 = arith.constant 11.3137083 : f32
      %mul3A_254 = vector.broadcast %mul3A_253 : f32 to vector<16xf32>
      %mul3A_255 = arith.mulf %get3A_252, %mul3A_254 : vector<16xf32>
      %swap3A_256 = arith.index_cast %scan3A_166 : i32 to index
      %swap3A_257 = arith.constant 112 : index
      %swap3A_258 = tpu.vector_load %arg8[%swap3A_256, %swap3A_257] {strides = array<i32>} : memref<128x128xf32, #tpu.memory_space<vmem>>, vector<1x16xf32>,
      %swap3A_259 = vector.shape_cast %swap3A_258 : vector<1x16xf32> to vector<16xf32>
      %swap3A_260 = vector.shape_cast %mul3A_255 : vector<16xf32> to vector<1x16xf32>
      tpu.vector_store %arg8[%swap3A_256, %swap3A_257], %swap3A_260 {strides = array<i32>} : memref<128x128xf32, #tpu.memory_space<vmem>>, vector<1x16xf32>,
    }
    %scan3A_91 = arith.constant 128 : i32
    %add3A_92 = arith.constant 6016 : i32
    %add3A_93 = arith.addi %mul3A_2, %add3A_92 : i32
    %dma_start3A_94 = arith.constant 0 : i32
    %dma_start3A_95 = tpu.memref_slice %arg4[%add3A_93, %dma_start3A_94] : memref<204800x128xf32, #tpu.memory_space<hbm>> -> memref<128x128xf32, #tpu.memory_space<hbm>>
    %dma_start3A_96 = arith.constant 0 : i32
    %dma_start3A_97 = tpu.memref_slice %arg4[%add3A_93, %dma_start3A_96] : memref<204800x128xf32, #tpu.memory_space<hbm>> -> memref<128x128xf32, #tpu.memory_space<hbm>>
    tpu.enqueue_dma source(%arg8 : memref<128x128xf32, #tpu.memory_space<vmem>>) target(%dma_start3A_97 : memref<128x128xf32, #tpu.memory_space<hbm>>) target_semaphore(%arg18 : memref<!tpu.dma_semaphore, #tpu.memory_space<semaphore_mem>>)
    %dma_wait3A_98 = arith.constant 0 : i32
    %dma_wait3A_99 = arith.constant 0 : i32
    %dma_wait3A_100 = tpu.memref_slice %arg5[%dma_wait3A_98, %dma_wait3A_99] : memref<50x128xi32, #tpu.memory_space<vmem>> -> memref<1x128xi32, #tpu.memory_space<vmem>>
    %dma_wait3A_101 = tpu.memref_squeeze %dma_wait3A_100 : memref<1x128xi32, #tpu.memory_space<vmem>> -> memref<128xi32, #tpu.memory_space<vmem>>
    %dma_wait3A_102 = arith.constant 0 : i32
    %dma_wait3A_103 = arith.constant 0 : i32
    %dma_wait3A_104 = tpu.memref_slice %arg2[%dma_wait3A_102, %dma_wait3A_103] : memref<100000x128xf32, #tpu.memory_space<hbm>> -> memref<100000x128xf32, #tpu.memory_space<hbm>>
    tpu.wait_indirect_dma semaphore(%arg14 : memref<!tpu.dma_semaphore, #tpu.memory_space<semaphore_mem>>) src(%dma_wait3A_104 : memref<100000x128xf32, #tpu.memory_space<hbm>>) dst(%arg9 : memref<128x128xf32, #tpu.memory_space<vmem>>)
    %scan3A_105 = arith.constant 0 : i32
    %scan3A_106 = arith.constant 0 : i32
    %scan3A_107 = arith.constant 128 : i32
    %scan3A_108 = arith.addi %scan3A_106, %scan3A_107 : i32
    %scan3A_109 = arith.constant 1 : i32
    scf.for %scan3A_166 = %scan3A_106 to %scan3A_108 step %scan3A_109  : i32 {
      %get3A = arith.index_cast %scan3A_166 : i32 to index
      %get3A_167 = arith.constant 0 : index
      %get3A_168 = tpu.vector_load %arg9[%get3A, %get3A_167] {strides = array<i32>} : memref<128x128xf32, #tpu.memory_space<vmem>>, vector<1x16xf32>,
      %get3A_169 = vector.shape_cast %get3A_168 : vector<1x16xf32> to vector<16xf32>
      %mul3A_170 = arith.constant 11.3137083 : f32
      %mul3A_171 = vector.broadcast %mul3A_170 : f32 to vector<16xf32>
      %mul3A_172 = arith.mulf %get3A_169, %mul3A_171 : vector<16xf32>
      %swap3A = arith.index_cast %scan3A_166 : i32 to index
      %swap3A_173 = arith.constant 0 : index
      %swap3A_174 = tpu.vector_load %arg9[%swap3A, %swap3A_173] {strides = array<i32>} : memref<128x128xf32, #tpu.memory_space<vmem>>, vector<1x16xf32>,
      %swap3A_175 = vector.shape_cast %swap3A_174 : vector<1x16xf32> to vector<16xf32>
      %swap3A_176 = vector.shape_cast %mul3A_172 : vector<16xf32> to vector<1x16xf32>
      tpu.vector_store %arg9[%swap3A, %swap3A_173], %swap3A_176 {strides = array<i32>} : memref<128x128xf32, #tpu.memory_space<vmem>>, vector<1x16xf32>,
      %get3A_177 = arith.index_cast %scan3A_166 : i32 to index
      %get3A_178 = arith.constant 16 : index
      %get3A_179 = tpu.vector_load %arg9[%get3A_177, %get3A_178] {strides = array<i32>} : memref<128x128xf32, #tpu.memory_space<vmem>>, vector<1x16xf32>,
      %get3A_180 = vector.shape_cast %get3A_179 : vector<1x16xf32> to vector<16xf32>
      %mul3A_181 = arith.constant 11.3137083 : f32
      %mul3A_182 = vector.broadcast %mul3A_181 : f32 to vector<16xf32>
      %mul3A_183 = arith.mulf %get3A_180, %mul3A_182 : vector<16xf32>
      %swap3A_184 = arith.index_cast %scan3A_166 : i32 to index
      %swap3A_185 = arith.constant 16 : index
      %swap3A_186 = tpu.vector_load %arg9[%swap3A_184, %swap3A_185] {strides = array<i32>} : memref<128x128xf32, #tpu.memory_space<vmem>>, vector<1x16xf32>,
      %swap3A_187 = vector.shape_cast %swap3A_186 : vector<1x16xf32> to vector<16xf32>
      %swap3A_188 = vector.shape_cast %mul3A_183 : vector<16xf32> to vector<1x16xf32>
      tpu.vector_store %arg9[%swap3A_184, %swap3A_185], %swap3A_188 {strides = array<i32>} : memref<128x128xf32, #tpu.memory_space<vmem>>, vector<1x16xf32>,
      %get3A_189 = arith.index_cast %scan3A_166 : i32 to index
      %get3A_190 = arith.constant 32 : index
      %get3A_191 = tpu.vector_load %arg9[%get3A_189, %get3A_190] {strides = array<i32>} : memref<128x128xf32, #tpu.memory_space<vmem>>, vector<1x16xf32>,
      %get3A_192 = vector.shape_cast %get3A_191 : vector<1x16xf32> to vector<16xf32>
      %mul3A_193 = arith.constant 11.3137083 : f32
      %mul3A_194 = vector.broadcast %mul3A_193 : f32 to vector<16xf32>
      %mul3A_195 = arith.mulf %get3A_192, %mul3A_194 : vector<16xf32>
      %swap3A_196 = arith.index_cast %scan3A_166 : i32 to index
      %swap3A_197 = arith.constant 32 : index
      %swap3A_198 = tpu.vector_load %arg9[%swap3A_196, %swap3A_197] {strides = array<i32>} : memref<128x128xf32, #tpu.memory_space<vmem>>, vector<1x16xf32>,
      %swap3A_199 = vector.shape_cast %swap3A_198 : vector<1x16xf32> to vector<16xf32>
      %swap3A_200 = vector.shape_cast %mul3A_195 : vector<16xf32> to vector<1x16xf32>
      tpu.vector_store %arg9[%swap3A_196, %swap3A_197], %swap3A_200 {strides = array<i32>} : memref<128x128xf32, #tpu.memory_space<vmem>>, vector<1x16xf32>,
      %get3A_201 = arith.index_cast %scan3A_166 : i32 to index
      %get3A_202 = arith.constant 48 : index
      %get3A_203 = tpu.vector_load %arg9[%get3A_201, %get3A_202] {strides = array<i32>} : memref<128x128xf32, #tpu.memory_space<vmem>>, vector<1x16xf32>,
      %get3A_204 = vector.shape_cast %get3A_203 : vector<1x16xf32> to vector<16xf32>
      %mul3A_205 = arith.constant 11.3137083 : f32
      %mul3A_206 = vector.broadcast %mul3A_205 : f32 to vector<16xf32>
      %mul3A_207 = arith.mulf %get3A_204, %mul3A_206 : vector<16xf32>
      %swap3A_208 = arith.index_cast %scan3A_166 : i32 to index
      %swap3A_209 = arith.constant 48 : index
      %swap3A_210 = tpu.vector_load %arg9[%swap3A_208, %swap3A_209] {strides = array<i32>} : memref<128x128xf32, #tpu.memory_space<vmem>>, vector<1x16xf32>,
      %swap3A_211 = vector.shape_cast %swap3A_210 : vector<1x16xf32> to vector<16xf32>
      %swap3A_212 = vector.shape_cast %mul3A_207 : vector<16xf32> to vector<1x16xf32>
      tpu.vector_store %arg9[%swap3A_208, %swap3A_209], %swap3A_212 {strides = array<i32>} : memref<128x128xf32, #tpu.memory_space<vmem>>, vector<1x16xf32>,
      %get3A_213 = arith.index_cast %scan3A_166 : i32 to index
      %get3A_214 = arith.constant 64 : index
      %get3A_215 = tpu.vector_load %arg9[%get3A_213, %get3A_214] {strides = array<i32>} : memref<128x128xf32, #tpu.memory_space<vmem>>, vector<1x16xf32>,
      %get3A_216 = vector.shape_cast %get3A_215 : vector<1x16xf32> to vector<16xf32>
      %mul3A_217 = arith.constant 11.3137083 : f32
      %mul3A_218 = vector.broadcast %mul3A_217 : f32 to vector<16xf32>
      %mul3A_219 = arith.mulf %get3A_216, %mul3A_218 : vector<16xf32>
      %swap3A_220 = arith.index_cast %scan3A_166 : i32 to index
      %swap3A_221 = arith.constant 64 : index
      %swap3A_222 = tpu.vector_load %arg9[%swap3A_220, %swap3A_221] {strides = array<i32>} : memref<128x128xf32, #tpu.memory_space<vmem>>, vector<1x16xf32>,
      %swap3A_223 = vector.shape_cast %swap3A_222 : vector<1x16xf32> to vector<16xf32>
      %swap3A_224 = vector.shape_cast %mul3A_219 : vector<16xf32> to vector<1x16xf32>
      tpu.vector_store %arg9[%swap3A_220, %swap3A_221], %swap3A_224 {strides = array<i32>} : memref<128x128xf32, #tpu.memory_space<vmem>>, vector<1x16xf32>,
      %get3A_225 = arith.index_cast %scan3A_166 : i32 to index
      %get3A_226 = arith.constant 80 : index
      %get3A_227 = tpu.vector_load %arg9[%get3A_225, %get3A_226] {strides = array<i32>} : memref<128x128xf32, #tpu.memory_space<vmem>>, vector<1x16xf32>,
      %get3A_228 = vector.shape_cast %get3A_227 : vector<1x16xf32> to vector<16xf32>
      %mul3A_229 = arith.constant 11.3137083 : f32
      %mul3A_230 = vector.broadcast %mul3A_229 : f32 to vector<16xf32>
      %mul3A_231 = arith.mulf %get3A_228, %mul3A_230 : vector<16xf32>
      %swap3A_232 = arith.index_cast %scan3A_166 : i32 to index
      %swap3A_233 = arith.constant 80 : index
      %swap3A_234 = tpu.vector_load %arg9[%swap3A_232, %swap3A_233] {strides = array<i32>} : memref<128x128xf32, #tpu.memory_space<vmem>>, vector<1x16xf32>,
      %swap3A_235 = vector.shape_cast %swap3A_234 : vector<1x16xf32> to vector<16xf32>
      %swap3A_236 = vector.shape_cast %mul3A_231 : vector<16xf32> to vector<1x16xf32>
      tpu.vector_store %arg9[%swap3A_232, %swap3A_233], %swap3A_236 {strides = array<i32>} : memref<128x128xf32, #tpu.memory_space<vmem>>, vector<1x16xf32>,
      %get3A_237 = arith.index_cast %scan3A_166 : i32 to index
      %get3A_238 = arith.constant 96 : index
      %get3A_239 = tpu.vector_load %arg9[%get3A_237, %get3A_238] {strides = array<i32>} : memref<128x128xf32, #tpu.memory_space<vmem>>, vector<1x16xf32>,
      %get3A_240 = vector.shape_cast %get3A_239 : vector<1x16xf32> to vector<16xf32>
      %mul3A_241 = arith.constant 11.3137083 : f32
      %mul3A_242 = vector.broadcast %mul3A_241 : f32 to vector<16xf32>
      %mul3A_243 = arith.mulf %get3A_240, %mul3A_242 : vector<16xf32>
      %swap3A_244 = arith.index_cast %scan3A_166 : i32 to index
      %swap3A_245 = arith.constant 96 : index
      %swap3A_246 = tpu.vector_load %arg9[%swap3A_244, %swap3A_245] {strides = array<i32>} : memref<128x128xf32, #tpu.memory_space<vmem>>, vector<1x16xf32>,
      %swap3A_247 = vector.shape_cast %swap3A_246 : vector<1x16xf32> to vector<16xf32>
      %swap3A_248 = vector.shape_cast %mul3A_243 : vector<16xf32> to vector<1x16xf32>
      tpu.vector_store %arg9[%swap3A_244, %swap3A_245], %swap3A_248 {strides = array<i32>} : memref<128x128xf32, #tpu.memory_space<vmem>>, vector<1x16xf32>,
      %get3A_249 = arith.index_cast %scan3A_166 : i32 to index
      %get3A_250 = arith.constant 112 : index
      %get3A_251 = tpu.vector_load %arg9[%get3A_249, %get3A_250] {strides = array<i32>} : memref<128x128xf32, #tpu.memory_space<vmem>>, vector<1x16xf32>,
      %get3A_252 = vector.shape_cast %get3A_251 : vector<1x16xf32> to vector<16xf32>
      %mul3A_253 = arith.constant 11.3137083 : f32
      %mul3A_254 = vector.broadcast %mul3A_253 : f32 to vector<16xf32>
      %mul3A_255 = arith.mulf %get3A_252, %mul3A_254 : vector<16xf32>
      %swap3A_256 = arith.index_cast %scan3A_166 : i32 to index
      %swap3A_257 = arith.constant 112 : index
      %swap3A_258 = tpu.vector_load %arg9[%swap3A_256, %swap3A_257] {strides = array<i32>} : memref<128x128xf32, #tpu.memory_space<vmem>>, vector<1x16xf32>,
      %swap3A_259 = vector.shape_cast %swap3A_258 : vector<1x16xf32> to vector<16xf32>
      %swap3A_260 = vector.shape_cast %mul3A_255 : vector<16xf32> to vector<1x16xf32>
      tpu.vector_store %arg9[%swap3A_256, %swap3A_257], %swap3A_260 {strides = array<i32>} : memref<128x128xf32, #tpu.memory_space<vmem>>, vector<1x16xf32>,
    }
    %scan3A_110 = arith.constant 128 : i32
    %add3A_111 = arith.constant 6144 : i32
    %add3A_112 = arith.addi %mul3A_2, %add3A_111 : i32
    %dma_start3A_113 = arith.constant 0 : i32
    %dma_start3A_114 = tpu.memref_slice %arg4[%add3A_112, %dma_start3A_113] : memref<204800x128xf32, #tpu.memory_space<hbm>> -> memref<128x128xf32, #tpu.memory_space<hbm>>
    %dma_start3A_115 = arith.constant 0 : i32
    %dma_start3A_116 = tpu.memref_slice %arg4[%add3A_112, %dma_start3A_115] : memref<204800x128xf32, #tpu.memory_space<hbm>> -> memref<128x128xf32, #tpu.memory_space<hbm>>
    tpu.enqueue_dma source(%arg9 : memref<128x128xf32, #tpu.memory_space<vmem>>) target(%dma_start3A_116 : memref<128x128xf32, #tpu.memory_space<hbm>>) target_semaphore(%arg19 : memref<!tpu.dma_semaphore, #tpu.memory_space<semaphore_mem>>)
    %dma_wait3A_117 = arith.constant 0 : i32
    %dma_wait3A_118 = arith.constant 0 : i32
    %dma_wait3A_119 = tpu.memref_slice %arg5[%dma_wait3A_117, %dma_wait3A_118] : memref<50x128xi32, #tpu.memory_space<vmem>> -> memref<1x128xi32, #tpu.memory_space<vmem>>
    %dma_wait3A_120 = tpu.memref_squeeze %dma_wait3A_119 : memref<1x128xi32, #tpu.memory_space<vmem>> -> memref<128xi32, #tpu.memory_space<vmem>>
    %dma_wait3A_121 = arith.constant 0 : i32
    %dma_wait3A_122 = arith.constant 0 : i32
    %dma_wait3A_123 = tpu.memref_slice %arg2[%dma_wait3A_121, %dma_wait3A_122] : memref<100000x128xf32, #tpu.memory_space<hbm>> -> memref<100000x128xf32, #tpu.memory_space<hbm>>
    tpu.wait_indirect_dma semaphore(%arg15 : memref<!tpu.dma_semaphore, #tpu.memory_space<semaphore_mem>>) src(%dma_wait3A_123 : memref<100000x128xf32, #tpu.memory_space<hbm>>) dst(%arg10 : memref<128x128xf32, #tpu.memory_space<vmem>>)
    %scan3A_124 = arith.constant 0 : i32
    %scan3A_125 = arith.constant 0 : i32
    %scan3A_126 = arith.constant 128 : i32
    %scan3A_127 = arith.addi %scan3A_125, %scan3A_126 : i32
    %scan3A_128 = arith.constant 1 : i32
    scf.for %scan3A_166 = %scan3A_125 to %scan3A_127 step %scan3A_128  : i32 {
      %get3A = arith.index_cast %scan3A_166 : i32 to index
      %get3A_167 = arith.constant 0 : index
      %get3A_168 = tpu.vector_load %arg10[%get3A, %get3A_167] {strides = array<i32>} : memref<128x128xf32, #tpu.memory_space<vmem>>, vector<1x16xf32>,
      %get3A_169 = vector.shape_cast %get3A_168 : vector<1x16xf32> to vector<16xf32>
      %mul3A_170 = arith.constant 11.3137083 : f32
      %mul3A_171 = vector.broadcast %mul3A_170 : f32 to vector<16xf32>
      %mul3A_172 = arith.mulf %get3A_169, %mul3A_171 : vector<16xf32>
      %swap3A = arith.index_cast %scan3A_166 : i32 to index
      %swap3A_173 = arith.constant 0 : index
      %swap3A_174 = tpu.vector_load %arg10[%swap3A, %swap3A_173] {strides = array<i32>} : memref<128x128xf32, #tpu.memory_space<vmem>>, vector<1x16xf32>,
      %swap3A_175 = vector.shape_cast %swap3A_174 : vector<1x16xf32> to vector<16xf32>
      %swap3A_176 = vector.shape_cast %mul3A_172 : vector<16xf32> to vector<1x16xf32>
      tpu.vector_store %arg10[%swap3A, %swap3A_173], %swap3A_176 {strides = array<i32>} : memref<128x128xf32, #tpu.memory_space<vmem>>, vector<1x16xf32>,
      %get3A_177 = arith.index_cast %scan3A_166 : i32 to index
      %get3A_178 = arith.constant 16 : index
      %get3A_179 = tpu.vector_load %arg10[%get3A_177, %get3A_178] {strides = array<i32>} : memref<128x128xf32, #tpu.memory_space<vmem>>, vector<1x16xf32>,
      %get3A_180 = vector.shape_cast %get3A_179 : vector<1x16xf32> to vector<16xf32>
      %mul3A_181 = arith.constant 11.3137083 : f32
      %mul3A_182 = vector.broadcast %mul3A_181 : f32 to vector<16xf32>
      %mul3A_183 = arith.mulf %get3A_180, %mul3A_182 : vector<16xf32>
      %swap3A_184 = arith.index_cast %scan3A_166 : i32 to index
      %swap3A_185 = arith.constant 16 : index
      %swap3A_186 = tpu.vector_load %arg10[%swap3A_184, %swap3A_185] {strides = array<i32>} : memref<128x128xf32, #tpu.memory_space<vmem>>, vector<1x16xf32>,
      %swap3A_187 = vector.shape_cast %swap3A_186 : vector<1x16xf32> to vector<16xf32>
      %swap3A_188 = vector.shape_cast %mul3A_183 : vector<16xf32> to vector<1x16xf32>
      tpu.vector_store %arg10[%swap3A_184, %swap3A_185], %swap3A_188 {strides = array<i32>} : memref<128x128xf32, #tpu.memory_space<vmem>>, vector<1x16xf32>,
      %get3A_189 = arith.index_cast %scan3A_166 : i32 to index
      %get3A_190 = arith.constant 32 : index
      %get3A_191 = tpu.vector_load %arg10[%get3A_189, %get3A_190] {strides = array<i32>} : memref<128x128xf32, #tpu.memory_space<vmem>>, vector<1x16xf32>,
      %get3A_192 = vector.shape_cast %get3A_191 : vector<1x16xf32> to vector<16xf32>
      %mul3A_193 = arith.constant 11.3137083 : f32
      %mul3A_194 = vector.broadcast %mul3A_193 : f32 to vector<16xf32>
      %mul3A_195 = arith.mulf %get3A_192, %mul3A_194 : vector<16xf32>
      %swap3A_196 = arith.index_cast %scan3A_166 : i32 to index
      %swap3A_197 = arith.constant 32 : index
      %swap3A_198 = tpu.vector_load %arg10[%swap3A_196, %swap3A_197] {strides = array<i32>} : memref<128x128xf32, #tpu.memory_space<vmem>>, vector<1x16xf32>,
      %swap3A_199 = vector.shape_cast %swap3A_198 : vector<1x16xf32> to vector<16xf32>
      %swap3A_200 = vector.shape_cast %mul3A_195 : vector<16xf32> to vector<1x16xf32>
      tpu.vector_store %arg10[%swap3A_196, %swap3A_197], %swap3A_200 {strides = array<i32>} : memref<128x128xf32, #tpu.memory_space<vmem>>, vector<1x16xf32>,
      %get3A_201 = arith.index_cast %scan3A_166 : i32 to index
      %get3A_202 = arith.constant 48 : index
      %get3A_203 = tpu.vector_load %arg10[%get3A_201, %get3A_202] {strides = array<i32>} : memref<128x128xf32, #tpu.memory_space<vmem>>, vector<1x16xf32>,
      %get3A_204 = vector.shape_cast %get3A_203 : vector<1x16xf32> to vector<16xf32>
      %mul3A_205 = arith.constant 11.3137083 : f32
      %mul3A_206 = vector.broadcast %mul3A_205 : f32 to vector<16xf32>
      %mul3A_207 = arith.mulf %get3A_204, %mul3A_206 : vector<16xf32>
      %swap3A_208 = arith.index_cast %scan3A_166 : i32 to index
      %swap3A_209 = arith.constant 48 : index
      %swap3A_210 = tpu.vector_load %arg10[%swap3A_208, %swap3A_209] {strides = array<i32>} : memref<128x128xf32, #tpu.memory_space<vmem>>, vector<1x16xf32>,
      %swap3A_211 = vector.shape_cast %swap3A_210 : vector<1x16xf32> to vector<16xf32>
      %swap3A_212 = vector.shape_cast %mul3A_207 : vector<16xf32> to vector<1x16xf32>
      tpu.vector_store %arg10[%swap3A_208, %swap3A_209], %swap3A_212 {strides = array<i32>} : memref<128x128xf32, #tpu.memory_space<vmem>>, vector<1x16xf32>,
      %get3A_213 = arith.index_cast %scan3A_166 : i32 to index
      %get3A_214 = arith.constant 64 : index
      %get3A_215 = tpu.vector_load %arg10[%get3A_213, %get3A_214] {strides = array<i32>} : memref<128x128xf32, #tpu.memory_space<vmem>>, vector<1x16xf32>,
      %get3A_216 = vector.shape_cast %get3A_215 : vector<1x16xf32> to vector<16xf32>
      %mul3A_217 = arith.constant 11.3137083 : f32
      %mul3A_218 = vector.broadcast %mul3A_217 : f32 to vector<16xf32>
      %mul3A_219 = arith.mulf %get3A_216, %mul3A_218 : vector<16xf32>
      %swap3A_220 = arith.index_cast %scan3A_166 : i32 to index
      %swap3A_221 = arith.constant 64 : index
      %swap3A_222 = tpu.vector_load %arg10[%swap3A_220, %swap3A_221] {strides = array<i32>} : memref<128x128xf32, #tpu.memory_space<vmem>>, vector<1x16xf32>,
      %swap3A_223 = vector.shape_cast %swap3A_222 : vector<1x16xf32> to vector<16xf32>
      %swap3A_224 = vector.shape_cast %mul3A_219 : vector<16xf32> to vector<1x16xf32>
      tpu.vector_store %arg10[%swap3A_220, %swap3A_221], %swap3A_224 {strides = array<i32>} : memref<128x128xf32, #tpu.memory_space<vmem>>, vector<1x16xf32>,
      %get3A_225 = arith.index_cast %scan3A_166 : i32 to index
      %get3A_226 = arith.constant 80 : index
      %get3A_227 = tpu.vector_load %arg10[%get3A_225, %get3A_226] {strides = array<i32>} : memref<128x128xf32, #tpu.memory_space<vmem>>, vector<1x16xf32>,
      %get3A_228 = vector.shape_cast %get3A_227 : vector<1x16xf32> to vector<16xf32>
      %mul3A_229 = arith.constant 11.3137083 : f32
      %mul3A_230 = vector.broadcast %mul3A_229 : f32 to vector<16xf32>
      %mul3A_231 = arith.mulf %get3A_228, %mul3A_230 : vector<16xf32>
      %swap3A_232 = arith.index_cast %scan3A_166 : i32 to index
      %swap3A_233 = arith.constant 80 : index
      %swap3A_234 = tpu.vector_load %arg10[%swap3A_232, %swap3A_233] {strides = array<i32>} : memref<128x128xf32, #tpu.memory_space<vmem>>, vector<1x16xf32>,
      %swap3A_235 = vector.shape_cast %swap3A_234 : vector<1x16xf32> to vector<16xf32>
      %swap3A_236 = vector.shape_cast %mul3A_231 : vector<16xf32> to vector<1x16xf32>
      tpu.vector_store %arg10[%swap3A_232, %swap3A_233], %swap3A_236 {strides = array<i32>} : memref<128x128xf32, #tpu.memory_space<vmem>>, vector<1x16xf32>,
      %get3A_237 = arith.index_cast %scan3A_166 : i32 to index
      %get3A_238 = arith.constant 96 : index
      %get3A_239 = tpu.vector_load %arg10[%get3A_237, %get3A_238] {strides = array<i32>} : memref<128x128xf32, #tpu.memory_space<vmem>>, vector<1x16xf32>,
      %get3A_240 = vector.shape_cast %get3A_239 : vector<1x16xf32> to vector<16xf32>
      %mul3A_241 = arith.constant 11.3137083 : f32
      %mul3A_242 = vector.broadcast %mul3A_241 : f32 to vector<16xf32>
      %mul3A_243 = arith.mulf %get3A_240, %mul3A_242 : vector<16xf32>
      %swap3A_244 = arith.index_cast %scan3A_166 : i32 to index
      %swap3A_245 = arith.constant 96 : index
      %swap3A_246 = tpu.vector_load %arg10[%swap3A_244, %swap3A_245] {strides = array<i32>} : memref<128x128xf32, #tpu.memory_space<vmem>>, vector<1x16xf32>,
      %swap3A_247 = vector.shape_cast %swap3A_246 : vector<1x16xf32> to vector<16xf32>
      %swap3A_248 = vector.shape_cast %mul3A_243 : vector<16xf32> to vector<1x16xf32>
      tpu.vector_store %arg10[%swap3A_244, %swap3A_245], %swap3A_248 {strides = array<i32>} : memref<128x128xf32, #tpu.memory_space<vmem>>, vector<1x16xf32>,
      %get3A_249 = arith.index_cast %scan3A_166 : i32 to index
      %get3A_250 = arith.constant 112 : index
      %get3A_251 = tpu.vector_load %arg10[%get3A_249, %get3A_250] {strides = array<i32>} : memref<128x128xf32, #tpu.memory_space<vmem>>, vector<1x16xf32>,
      %get3A_252 = vector.shape_cast %get3A_251 : vector<1x16xf32> to vector<16xf32>
      %mul3A_253 = arith.constant 11.3137083 : f32
      %mul3A_254 = vector.broadcast %mul3A_253 : f32 to vector<16xf32>
      %mul3A_255 = arith.mulf %get3A_252, %mul3A_254 : vector<16xf32>
      %swap3A_256 = arith.index_cast %scan3A_166 : i32 to index
      %swap3A_257 = arith.constant 112 : index
      %swap3A_258 = tpu.vector_load %arg10[%swap3A_256, %swap3A_257] {strides = array<i32>} : memref<128x128xf32, #tpu.memory_space<vmem>>, vector<1x16xf32>,
      %swap3A_259 = vector.shape_cast %swap3A_258 : vector<1x16xf32> to vector<16xf32>
      %swap3A_260 = vector.shape_cast %mul3A_255 : vector<16xf32> to vector<1x16xf32>
      tpu.vector_store %arg10[%swap3A_256, %swap3A_257], %swap3A_260 {strides = array<i32>} : memref<128x128xf32, #tpu.memory_space<vmem>>, vector<1x16xf32>,
    }
    %scan3A_129 = arith.constant 128 : i32
    %add3A_130 = arith.constant 6272 : i32
    %add3A_131 = arith.addi %mul3A_2, %add3A_130 : i32
    %dma_start3A_132 = arith.constant 0 : i32
    %dma_start3A_133 = tpu.memref_slice %arg4[%add3A_131, %dma_start3A_132] : memref<204800x128xf32, #tpu.memory_space<hbm>> -> memref<128x128xf32, #tpu.memory_space<hbm>>
    %dma_start3A_134 = arith.constant 0 : i32
    %dma_start3A_135 = tpu.memref_slice %arg4[%add3A_131, %dma_start3A_134] : memref<204800x128xf32, #tpu.memory_space<hbm>> -> memref<128x128xf32, #tpu.memory_space<hbm>>
    tpu.enqueue_dma source(%arg10 : memref<128x128xf32, #tpu.memory_space<vmem>>) target(%dma_start3A_135 : memref<128x128xf32, #tpu.memory_space<hbm>>) target_semaphore(%arg20 : memref<!tpu.dma_semaphore, #tpu.memory_space<semaphore_mem>>)
    %dma_wait3A_136 = arith.constant 0 : i32
    %dma_wait3A_137 = arith.constant 0 : i32
    %dma_wait3A_138 = tpu.memref_slice %arg4[%dma_wait3A_136, %dma_wait3A_137] : memref<204800x128xf32, #tpu.memory_space<hbm>> -> memref<128x128xf32, #tpu.memory_space<hbm>>
    %dma_wait3A_139 = arith.constant 0 : i32
    %dma_wait3A_140 = arith.constant 0 : i32
    %dma_wait3A_141 = tpu.memref_slice %arg4[%dma_wait3A_139, %dma_wait3A_140] : memref<204800x128xf32, #tpu.memory_space<hbm>> -> memref<128x128xf32, #tpu.memory_space<hbm>>
    tpu.wait_dma2 semaphore(%arg16 : memref<!tpu.dma_semaphore, #tpu.memory_space<semaphore_mem>>) src(%arg6 : memref<128x128xf32, #tpu.memory_space<vmem>>) dst(%dma_wait3A_141 : memref<128x128xf32, #tpu.memory_space<hbm>>)
    %dma_wait3A_142 = arith.constant 0 : i32
    %dma_wait3A_143 = arith.constant 0 : i32
    %dma_wait3A_144 = tpu.memref_slice %arg4[%dma_wait3A_142, %dma_wait3A_143] : memref<204800x128xf32, #tpu.memory_space<hbm>> -> memref<128x128xf32, #tpu.memory_space<hbm>>
    %dma_wait3A_145 = arith.constant 0 : i32
    %dma_wait3A_146 = arith.constant 0 : i32
    %dma_wait3A_147 = tpu.memref_slice %arg4[%dma_wait3A_145, %dma_wait3A_146] : memref<204800x128xf32, #tpu.memory_space<hbm>> -> memref<128x128xf32, #tpu.memory_space<hbm>>
    tpu.wait_dma2 semaphore(%arg17 : memref<!tpu.dma_semaphore, #tpu.memory_space<semaphore_mem>>) src(%arg7 : memref<128x128xf32, #tpu.memory_space<vmem>>) dst(%dma_wait3A_147 : memref<128x128xf32, #tpu.memory_space<hbm>>)
    %dma_wait3A_148 = arith.constant 0 : i32
    %dma_wait3A_149 = arith.constant 0 : i32
    %dma_wait3A_150 = tpu.memref_slice %arg4[%dma_wait3A_148, %dma_wait3A_149] : memref<204800x128xf32, #tpu.memory_space<hbm>> -> memref<128x128xf32, #tpu.memory_space<hbm>>
    %dma_wait3A_151 = arith.constant 0 : i32
    %dma_wait3A_152 = arith.constant 0 : i32
    %dma_wait3A_153 = tpu.memref_slice %arg4[%dma_wait3A_151, %dma_wait3A_152] : memref<204800x128xf32, #tpu.memory_space<hbm>> -> memref<128x128xf32, #tpu.memory_space<hbm>>
    tpu.wait_dma2 semaphore(%arg18 : memref<!tpu.dma_semaphore, #tpu.memory_space<semaphore_mem>>) src(%arg8 : memref<128x128xf32, #tpu.memory_space<vmem>>) dst(%dma_wait3A_153 : memref<128x128xf32, #tpu.memory_space<hbm>>)
    %dma_wait3A_154 = arith.constant 0 : i32
    %dma_wait3A_155 = arith.constant 0 : i32
    %dma_wait3A_156 = tpu.memref_slice %arg4[%dma_wait3A_154, %dma_wait3A_155] : memref<204800x128xf32, #tpu.memory_space<hbm>> -> memref<128x128xf32, #tpu.memory_space<hbm>>
    %dma_wait3A_157 = arith.constant 0 : i32
    %dma_wait3A_158 = arith.constant 0 : i32
    %dma_wait3A_159 = tpu.memref_slice %arg4[%dma_wait3A_157, %dma_wait3A_158] : memref<204800x128xf32, #tpu.memory_space<hbm>> -> memref<128x128xf32, #tpu.memory_space<hbm>>
    tpu.wait_dma2 semaphore(%arg19 : memref<!tpu.dma_semaphore, #tpu.memory_space<semaphore_mem>>) src(%arg9 : memref<128x128xf32, #tpu.memory_space<vmem>>) dst(%dma_wait3A_159 : memref<128x128xf32, #tpu.memory_space<hbm>>)
    %dma_wait3A_160 = arith.constant 0 : i32
    %dma_wait3A_161 = arith.constant 0 : i32
    %dma_wait3A_162 = tpu.memref_slice %arg4[%dma_wait3A_160, %dma_wait3A_161] : memref<204800x128xf32, #tpu.memory_space<hbm>> -> memref<128x128xf32, #tpu.memory_space<hbm>>
    %dma_wait3A_163 = arith.constant 0 : i32
    %dma_wait3A_164 = arith.constant 0 : i32
    %dma_wait3A_165 = tpu.memref_slice %arg4[%dma_wait3A_163, %dma_wait3A_164] : memref<204800x128xf32, #tpu.memory_space<hbm>> -> memref<128x128xf32, #tpu.memory_space<hbm>>
    tpu.wait_dma2 semaphore(%arg20 : memref<!tpu.dma_semaphore, #tpu.memory_space<semaphore_mem>>) src(%arg10 : memref<128x128xf32, #tpu.memory_space<vmem>>) dst(%dma_wait3A_165 : memref<128x128xf32, #tpu.memory_space<hbm>>)
    return
  }
}

</mosaic_0001>

<sc_bundles>
// kernel: kernel.3.cloned.1.call-start
scs
__scs_entry_jumppad:
0x0: {  	(pc) =	sbr.rel $0x88, $3  }
0x1: {  	(tag) =	ssettag $0x0;
	lr =	simm.s32 $0x1  }
0x2: {  	[smem:$0x3F9F] =	sst lr;
	_ =	strace $0xD0000000  }
0x3: {  	_ = 	snop  }
0x4: {  	_ = 	snop  }
0x5: {  	_ = 	snop  }
0x6: {  	_ = 	snop  }
0x7: {  	_ = 	snop  }
__scs_overlays_trampoline_lowered:
0x8: {  	[smem:$0x3FAE] =	sst s0  }
0x9: {  	[smem:$0x3FAF] =	sst s1  }
0xa: {  	[smem:$0x3FB0] =	sst s2  }
0xb: {  	[smem:$0x3FB1] =	sst s3  }
0xc: {  	[smem:$0x3FB2] =	sst s4  }
0xd: {  	[smem:$0x3FB3] =	sst s5  }
0xe: {  	[smem:$0x3FB4] =	sst s6  }
0xf: {  	[smem:$0x3FB5] =	sst s7  }
0x10: {  	[smem:$0x3FB6] =	sst s8  }
0x11: {  	[smem:$0x3FB7] =	sst s9;
	s0 =	simm.s32 @!p0 $0x0  }
0x12: {  	s1 =	sld [smem:$0x3F9D];
	s0 =	simm.s32 @p0 $0x1  }
0x13: {  	[smem:$0x3FB8] =	sst s0;
	s0 =	simm.s32 @!p1 $0x0  }
0x14: {  	s2 =	sld [smem:$0x3F9C];
	s0 =	simm.s32 @p1 $0x1  }
0x15: {  	[smem:$0x3FB9] =	sst s0;
	s0 =	simm.s32 @!p2 $0x0  }
0x16: {  	s3 =	sld [smem:$0x3FDB];
	s0 =	simm.s32 @p2 $0x1  }
0x17: {  	s4 =	simm.s32 $0x1BF5;
	[smem:$0x3FBB] =	sst s0  }
0x18: {  	s0 =	sld [smem:$0x3F9E];
	_ =	swait.ge [sflag:s4], $0x0  }
0x19: {  	s7 =	sld [smem:$0x3F9F]  }
0x1a: {  	s8 =	sadd.s32 $0xFFFFE003, lr  }
0x1b: {  	s9 =	sadd.s32 $0xFFFFFEF7, lr;
	s5 =	simm.s32 $0xFFFFFFFF;
	p2 =	slt.u32 s8, $0xFFFFF086  }
0x1c: {  	p1 =	slt.u32 s9, $0xF7A;
	s5 =	simm.s32 @!p2 $0x0  }
0x1d: {  	s5 =	simm.s32 @p1 $0x1;
	p0 =	seq.s32 s7, s2  }
0x1e: {  	s7 =	smul.u32 @!p0 $0xF7A, s2;
	p2 =	seq.s32 @!p0 s5, $0x0  }
0x1f: {  	s9 =	smul.u32 $0xF7A, s1;
	s8 =	simm.s32 @!p0 $0x1BF5;
	p2 =	por !p2, p0  }
0x20: {  	[sflag:s8] =	ssyncset.s32 @!p0 $0xFFFFF086;
	s6 =	sadd.s32 @!p0 s3, s7;
	s7 =	simm.s32 @!p0 $0x108  }
0x21: {  	s3 =	sadd.s32 s3, s9;
	s6 =	sadd.s32 @!p0 $0x88, s6;
	s7 =	simm.s32 @p2 $0x1082  }
0x22: {  	[simem:s7], [sflag:s8] =	dma.local @!p0 [hbm:s6], $0xF7A  }
0x23: {  	s9 =	sor.u32 $0xD0000000, s2;
	s6 =	simm.s32 $0x108;
	_ =	swait.ge @!p0 [sflag:s8], $0x0  }
0x24: {  	s3 =	sadd.s32 $0x88, s3;
	s6 =	simm.s32 @!p1 $0x1082;
	[sflag:s4] =	ssyncset.s32 $0xFFFFF086  }
0x25: {  	[simem:s6], [sflag:s4] =	dma.local [hbm:s3], $0xF7A  }
0x26: {  	[smem:$0x3F9F] =	sst s1;
	(tag) =	ssettag s2;
	_ =	strace s9  }
0x27: {  	s1 =	sld [smem:$0x3FAF]  }
0x28: {  	s2 =	sld [smem:$0x3FB0]  }
0x29: {  	s4 =	sld [smem:$0x3FB2]  }
0x2a: {  	p0 =	seq.s32 s5, $0x0;
	s5 =	sld [smem:$0x3FB3]  }
0x2b: {  	s6 =	sld [smem:$0x3FB4]  }
0x2c: {  	s7 =	sld [smem:$0x3FB5]  }
0x2d: {  	s3 =	simm.s32 $0x108;
	s8 =	sld [smem:$0x3FB6]  }
0x2e: {  	s3 =	simm.s32 @!p0 $0x1082;
	s9 =	sld [smem:$0x3FB7]  }
0x2f: {  	lr =	sadd.s32 s0, s3;
	s0 =	sld [smem:$0x3FAE]  }
0x30: {  	s3 =	sld [smem:$0x3FB1]  }
0x31: {  	[smem:$0x3FBA] =	sst s10  }
0x32: {  	s10 =	sld [smem:$0x3FB8];
	_ =	sdelay $0x3  }
0x33: {  	p0 =	seq.s32 s10, $0x1;
	s10 =	sld [smem:$0x3FBA];
	_ =	sdelay $0x3  }
0x34: {  	[smem:$0x3FBA] =	sst s10  }
0x35: {  	s10 =	sld [smem:$0x3FB9];
	_ =	sdelay $0x3  }
0x36: {  	p1 =	seq.s32 s10, $0x1;
	s10 =	sld [smem:$0x3FBA];
	_ =	sdelay $0x3  }
0x37: {  	[smem:$0x3FBA] =	sst s10  }
0x38: {  	s10 =	sld [smem:$0x3FBB]  }
0x39: {  	_ = 	snop;
	(pc) =	sbr.ind lr, $3  }
0x3a: {  	_ = 	snop  }
0x3b: {  	_ = 	snop  }
0x3c: {  	p2 =	seq.s32 s10, $0x1;
	s10 =	sld [smem:$0x3FBA]  }
0x3d: {  	_ =	shalt  }
0x3e: {  	_ =	shalt  }
0x3f: {  	_ =	shalt  }
0x40: {  	_ =	shalt  }
0x41: {  	_ =	shalt  }
0x42: {  	_ =	shalt  }
0x43: {  	_ =	shalt  }
0x44: {  	_ =	shalt  }
0x45: {  	_ =	shalt  }
0x46: {  	_ =	shalt  }
0x47: {  	_ =	shalt  }
0x48: {  	_ =	shalt  }
0x49: {  	_ =	shalt  }
0x4a: {  	_ =	shalt  }
0x4b: {  	_ =	shalt  }
0x4c: {  	_ =	shalt  }
0x4d: {  	_ =	shalt  }
0x4e: {  	_ =	shalt  }
0x4f: {  	_ =	shalt  }
0x50: {  	_ =	shalt  }
0x51: {  	_ =	shalt  }
0x52: {  	_ =	shalt  }
0x53: {  	_ =	shalt  }
0x54: {  	_ =	shalt  }
0x55: {  	_ =	shalt  }
0x56: {  	_ =	shalt  }
0x57: {  	_ =	shalt  }
0x58: {  	_ =	shalt  }
0x59: {  	_ =	shalt  }
0x5a: {  	_ =	shalt  }
0x5b: {  	_ =	shalt  }
0x5c: {  	_ =	shalt  }
0x5d: {  	_ =	shalt  }
0x5e: {  	_ =	shalt  }
0x5f: {  	_ =	shalt  }
0x60: {  	_ =	shalt  }
0x61: {  	_ =	shalt  }
0x62: {  	_ =	shalt  }
0x63: {  	_ =	shalt  }
0x64: {  	_ =	shalt  }
0x65: {  	_ =	shalt  }
0x66: {  	_ =	shalt  }
0x67: {  	_ =	shalt  }
0x68: {  	_ =	shalt  }
0x69: {  	_ =	shalt  }
0x6a: {  	_ =	shalt  }
0x6b: {  	_ =	shalt  }
0x6c: {  	_ =	shalt  }
0x6d: {  	_ =	shalt  }
0x6e: {  	_ =	shalt  }
0x6f: {  	_ =	shalt  }
0x70: {  	_ =	shalt  }
0x71: {  	_ =	shalt  }
0x72: {  	_ =	shalt  }
0x73: {  	_ =	shalt  }
0x74: {  	_ =	shalt  }
0x75: {  	_ =	shalt  }
0x76: {  	_ =	shalt  }
0x77: {  	_ =	shalt  }
0x78: {  	_ =	shalt  }
0x79: {  	_ =	shalt  }
0x7a: {  	_ =	shalt  }
0x7b: {  	_ =	shalt  }
0x7c: {  	_ =	shalt  }
0x7d: {  	_ =	shalt  }
0x7e: {  	_ =	shalt  }
0x7f: {  	_ =	shalt  }
0x80: {  	_ =	shalt  }
0x81: {  	_ =	shalt  }
0x82: {  	_ =	shalt  }
0x83: {  	_ =	shalt  }
0x84: {  	_ =	shalt  }
0x85: {  	_ =	shalt  }
0x86: {  	_ =	shalt  }
0x87: {  	_ =	shalt  }
.Lfunc_end0:
.L_simem_size_0:
called_computation_lowered:
.L_overlay_start_0:
0x88: {  	s2 =	sld [smem:$0x3FD9]  }
0x89: {  	s3 =	sld [smem:$0x3FFE];
	_ =	sdelay $0x1  }
0x8a: {  	s1 =	srdreg.scid  }
0x8b: {  	s0 =	sand.u32 $0x1, s1  }
0x8c: {  	s17 =	sshll.u32 s0, $0xA;
	s2 =	sadd.s32 s3, s2  }
0x8d: {  	s2 =	sadd.s32 s2, s17  }
0x8e: {  	[smem:$0x3FC6] =	sst s2  }
0x8f: {  	_ = 	snop  }
0x90: {  	s2 =	sld [smem:$0x3FC8]  }
0x91: {  	s18 =	sld [smem:$0x3FD0];
	(tm) =	ssettm $0x1  }
0x92: {  	s4 =	sld [smem:$0x3FFB];
	_ =	sdelay $0x3  }
0x93: {  	_ =	strace s4  }
0x94: {  	s4 =	sld [smem:$0x3FFC];
	_ =	sdelay $0x3  }
0x95: {  	_ =	strace s4  }
0x96: {  	s4 =	sld [smem:$0x3FFD];
	_ =	sdelay $0x3  }
0x97: {  	_ =	strace s4  }
0x98: {  	_ =	strace $0x8FFFFFFF  }
0x99: {  	s19 =	sld [smem:$0x3FDB];
	_ =	sdelay $0x1  }
0x9a: {  	s5 =	simm.s32 $_scs_section_size  }
0x9b: {  	s6 =	simm.s32 $_size__tile_overlayer_lowered;
	s7 =	simm.s32 $_tile_overlayer_lowered  }
0x9c: {  	s22 =	simm.s32 $0x1BFF;
	s21 =	sshll.u32 s7, $0x1;
	s4 =	sadd.s32 s5, s19  }
0x9d: {  	s8 =	simm.s32 $0x0;
	s20 =	sshll.u32 s6, $0x1;
	s6 =	sadd.s32 s21, s4  }
0x9e: {  	[timem:s8], [sflag:s22] =	dma.local [hbm:s6], s20  }
0x9f: {  	_ =	swait.ge [sflag:s22], s20  }
0xa0: {  	s5 =	ssub.s32 $0x0, s20;
	[sflag:s22] =	ssyncset.done $0x0  }
0xa1: {  	[sflag:s22] =	ssyncadd.s32 s5;
	_ =	sdelay $0x1  }
0xa2: {  	s23 =	simm.s32 $0x1B8B  }
0xa3: {  	_ =	swait.ge [sflag:s23], $0x1  }
0xa4: {  	[sflag:s23] =	ssyncset.done $0x0  }
0xa5: {  	s25 =	simm.s32 $0x1B8E;
	s24 =	sld [smem:$0x3FFE];
	[sflag:s23] =	ssyncadd.s32 $0xFFFFFFFF  }
0xa6: {  	s26 =	simm.s32 $execute0_lowered;
	[smem:$0x3FD2] =	sst s25  }
0xa7: {  	s6 =	sshll.u32 s26, $0x1;
	_ =	strace $0x80000046;
	[dreg:$0x1] =	wrdreg $0xFFFFFFFF  }
0xa8: {  	s28 =	simm.s32 $_size_execute0_lowered;
	s4 =	sadd.s32 s4, s6;
	[dreg:$0x0] =	wrdreg $0x0  }
0xa9: {  	s6 =	sshll.u32 s28, $0x1;
	[dreg:$0x2] =	wrdreg s4  }
0xaa: {  	[dreg:$0x3] =	wrdreg s6  }
0xab: {  	[dreg:$0x4] =	wrdreg $0xC0  }
0xac: {  	_ =	task [dreg:s8], $0x5FFFF  }
0xad: {  	[dreg:$0x1] =	wrdreg $0xFFFFFFFF  }
0xae: {  	[dreg:$0x0] =	wrdreg $0x60  }
0xaf: {  	[dreg:$0x2] =	wrdreg s2  }
0xb0: {  	[dreg:$0x3] =	wrdreg s24  }
0xb1: {  	[dreg:$0x4] =	wrdreg s18  }
0xb2: {  	[dreg:$0x5] =	wrdreg $0x9  }
0xb3: {  	_ =	task.clear_ibuf [dreg:s8], $0x6FFFF;
	_ =	strace $0x90000046  }
0xb4: {  	s29 =	simm.s32 $0x9;
	_ =	strace $0x80000048  }
0xb5: {  	_ =	swait.ge [sflag:s29], $0x1  }
0xb6: {  	[sflag:s29] =	ssyncadd.s32 $0xFFFFFFFF  }
0xb7: {  	_ =	strace $0x90000048  }
0xb8: {  	_ =	sfence  }
0xb9: {  	s30 =	sld [smem:$0x0];
	_ =	sdelay $0x2  }
0xba: {  	s31 =	sshll.u32 s1, $0xD;
	s1 =	sshrl.u32 s1, $0x2  }
0xbb: {  	s3 =	sand.u32 $0x4000, s31;
	s1 =	sadd.s32 s1, s30  }
0xbc: {  	s0 =	sor.u32 s3, s0;
	s1 =	sshll.u32 s1, $0x11  }
0xbd: {  	s0 =	sor.u32 s1, s0  }
0xbe: {  	s0 =	sadd.s32 $0x8F2B, s0  }
0xbf: {  	[sflag:s0] =	ssyncadd.remote.s32 $0x1  }
0xc0: {  	_ =	sfence.sel $0xFFFF  }
0xc1: {  	[dreg:$0x0] =	wrdreg $0xFFFFFFFF;
	(pc) =	sbr.abs _section_cstart, $3  }
0xc2: {  	[dreg:$0x1] =	wrdreg $0xFFFFFFFF  }
0xc3: {  	_ =	task.clear_ibuf [dreg:s8], $0x2FFFF;
	_ =	strace $0x9FFFFFFF  }
0xc4: {  	(tm) =	ssettm $0x7FFFFFFF  }
0xc5: {  	_ =	shalt  }
tec
execute0_lowered:
.L_overlay_start_1:
0x0: {  	(tag) =	ssettag $0x1  }
0x1: {  	s1 =	rddreg [dreg:$0x0];
	s0 =	srdreg.scid  }
0x2: {  	s3 =	stileid.u32;
	s2 =	rddreg [dreg:$0x1];
	s17 =	simm.s32 $0xB  }
0x3: {  	s18 =	simm.s32 $0x80;
	s19 =	simm.s32 $0x1C00;
	s20 =	simm.s32 $0x5C00  }
0x4: {  	s28 =	simm.s32 $0x1;
	s29 =	simm.s32 $0x2;
	s30 =	simm.s32 $0x3  }
0x5: {  	s31 =	simm.s32 $0x4;
	s0 =	sand.u32 $0x1, s0;
	s4 =	sshll.u32 s3, $0x1  }
0x6: {  	s11 =	simm.s32 $0x0;
	s3 =	rddreg [dreg:$0x2];
	s6 =	sor.u32 s0, s4  }
0x7: {  	s4 =	simm.s32 $0x0;
	s0 =	ssub.s32 $0x2, s0;
	s7 =	smul.u32 $0x380, s6  }
0x8: {  	[smem:$0x7FF] =	sst s4;
	s5 =	smul.u32 $0x1900, s6;
	s21 =	sshrl.u32 s0, $0x1  }
0x9: {  	s6 =	smul.u32 $0xC8000, s6;
	_ =	strace $0x80000047;
	s0 =	ssub.s32 s0, s21  }
0xa: {  	s21 =	simm.s32 $0x7;
	s2 =	sadd.s32 s7, s2;
	s7 =	sor.u32 $0x80, s5  }
0xb: {  	s8 =	sadd.s32 $0x100, s5;
	s22 =	sshrl.u32 s6, $0x3;
	s2 =	sadd.s32 $0x400, s2  }
0xc: {  	s0 =	smax.u32 s0, $0x1;
	[dreg:$0x4] =	wrdreg s2;
	s2 =	sadd.s32 s3, s22  }
0xd: {  	s9 =	sadd.s32 $0x180, s5;
	[dreg:$0xa] =	wrdreg s0;
	s23 =	sadd.s32 $0x16800, s2  }
0xe: {  	s10 =	sadd.s32 $0x200, s5;
	s24 =	sadd.s32 $0x17000, s2;
	[dreg:$0x5] =	wrdreg s23  }
0xf: {  	s6 =	simm.s32 $0xA;
	s25 =	sadd.s32 $0x17800, s2;
	[dreg:$0x6] =	wrdreg s24  }
0x10: {  	s0 =	simm.s32 $0x6;
	s26 =	sadd.s32 $0x18000, s2;
	[dreg:$0x7] =	wrdreg s25  }
0x11: {  	s22 =	simm.s32 $0x9C00;
	s2 =	sadd.s32 $0x18800, s2;
	[dreg:$0x8] =	wrdreg s26  }
0x12: {  	[dreg:$0x9] =	wrdreg s2;
	s24 =	simm.s32 $0xDC00;
	s26 =	simm.s32 $0x11C00  }
0x13: {  	s2 =	simm.s32 $0x5;
	s23 =	simm.s32 $0x8;
	s25 =	simm.s32 $0x9  }
.LBB2_1:
0x14: {  	s12 =	rddreg [dreg:$0x4]  }
0x15: {  	[tilespmem:s4], [sflag:$0xB] =	stream.linear.gather [hbm4b:s12+s4], $0x1900, $0x38;
	[tilespmem:$0x15C00] =	vst v63  }
0x16: {  	_ =	swait.ge [sflag:s17], $0x1900  }
0x17: {  	[sflag:s17] =	ssyncset.done $0x0  }
0x18: {  	[sflag:s17] =	ssyncadd.s32 $0xFFFFE700  }
0x19: {  	[tilespmem:s19], [sflag:$0x1] =	stream.indirect.gather [hbm4b:s1+s18], $0x80, s4, s18, $0xb8;
	[tilespmem:$0x15C00] =	vst v63  }
0x1a: {  	_ = 	snop  }
0x1b: {  	[tilespmem:s20], [sflag:$0x2] =	stream.indirect.gather [hbm4b:s1+s18], $0x80, s18, s18, $0xb8;
	[tilespmem:$0x15C00] =	vst v63  }
0x1c: {  	s14 =	simm.s32 $0x100  }
0x1d: {  	[tilespmem:s22], [sflag:$0x3] =	stream.indirect.gather [hbm4b:s1+s18], $0x80, s14, s18, $0xb8;
	[tilespmem:$0x15C00] =	vst v63  }
0x1e: {  	s15 =	simm.s32 $0x180  }
0x1f: {  	[tilespmem:s24], [sflag:$0x4] =	stream.indirect.gather [hbm4b:s1+s18], $0x80, s15, s18, $0xb8;
	[tilespmem:$0x15C00] =	vst v63  }
0x20: {  	s16 =	simm.s32 $0x200;
	s12 =	simm.s32 $0x0  }
0x21: {  	[tilespmem:s26], [sflag:$0x5] =	stream.indirect.gather [hbm4b:s1+s18], $0x80, s16, s18, $0xb8;
	[tilespmem:$0x15C00] =	vst v63  }
.LBB2_2:
0x22: {  	_ =	swait.ge [sflag:s28], $0x4000  }
0x23: {  	[sflag:s28] =	ssyncset.done $0x0  }
0x24: {  	s14 =	simm.s32 $0x0;
	[sflag:s28] =	ssyncadd.s32 $0xFFFFC000  }
0x25: {  	v2 =	vld [tilespmem:s14+$0x1C00]  }
0x26: {  	v5 =	vld [tilespmem:s14+$0x1C10]  }
0x27: {  	v4 =	vld [tilespmem:s14+$0x1C20]  }
0x28: {  	v3 =	vld [tilespmem:s14+$0x1C30]  }
0x29: {  	v0 =	vld [tilespmem:s14+$0x1C40]  }
0x2a: {  	v1 =	vld [tilespmem:s14+$0x1C50];
	v6 =	vmul.f32 $1.131370830e+01, v2  }
0x2b: {  	s13 =	simm.s32 $0x200;
	v5 =	vmul.f32 $1.131370830e+01, v5;
	v2 =	vld [tilespmem:s14+$0x1C60]  }
.LBB2_3:
0x2c: {  	s15 =	sshra.s32 s13, $0x2;
	p0 =	sne.s32 s13, $0xFE00;
	[tilespmem:s14+$0x1C00] =	vst v6;
	v4 =	vmul.f32 $1.131370830e+01, v4;
	v6 =	vld [tilespmem:s14+$0x1C70]  }
0x2d: {  	v7 =	vld [tilespmem:s15+$0x1C00];
	[tilespmem:s14+$0x1C10] =	vst v5;
	v3 =	vmul.f32 $1.131370830e+01, v3  }
0x2e: {  	v5 =	vld [tilespmem:s15+$0x1C10];
	[tilespmem:s14+$0x1C20] =	vst v4;
	v0 =	vmul.f32 $1.131370830e+01, v0  }
.Ltmp0:
0x2f: {  	v4 =	vld [tilespmem:s15+$0x1C20];
	[tilespmem:s14+$0x1C30] =	vst v3;
	v1 =	vmul.f32 $1.131370830e+01, v1;
	(pc) =	sbr.rel @p0 .LBB2_3-.Ltmp0, $4  }
0x30: {  	v3 =	vld [tilespmem:s15+$0x1C30];
	[tilespmem:s14+$0x1C40] =	vst v0;
	v2 =	vmul.f32 $1.131370830e+01, v2  }
0x31: {  	v0 =	vld [tilespmem:s15+$0x1C40];
	[tilespmem:s14+$0x1C50] =	vst v1;
	v8 =	vmul.f32 $1.131370830e+01, v6  }
0x32: {  	v6 =	vmul.f32 $1.131370830e+01, v7;
	v1 =	vld [tilespmem:s15+$0x1C50];
	[tilespmem:s14+$0x1C60] =	vst v2  }
0x33: {  	s13 =	sadd.s32 $0x200, s13;
	v5 =	vmul.f32 $1.131370830e+01, v5;
	v2 =	vld [tilespmem:s15+$0x1C60];
	[tilespmem:s14+$0x1C70] =	vst v8;
	s14 =	smov.u32 s15  }
0x34: {  	[tilespmem:s14+$0x1C00] =	vst v6;
	v4 =	vmul.f32 $1.131370830e+01, v4;
	v6 =	vld [tilespmem:s14+$0x1C70]  }
0x35: {  	[tilespmem:s14+$0x1C10] =	vst v5;
	v3 =	vmul.f32 $1.131370830e+01, v3  }
0x36: {  	[tilespmem:s14+$0x1C20] =	vst v4;
	v0 =	vmul.f32 $1.131370830e+01, v0  }
0x37: {  	s13 =	smul.u32 $0x280, s12;
	[tilespmem:s14+$0x1C30] =	vst v3;
	v1 =	vmul.f32 $1.131370830e+01, v1  }
0x38: {  	[tilespmem:s14+$0x1C40] =	vst v0;
	v0 =	vmul.f32 $1.131370830e+01, v2  }
0x39: {  	s15 =	sadd.s32 s5, s13;
	[tilespmem:s14+$0x1C50] =	vst v1;
	v1 =	vmul.f32 $1.131370830e+01, v6  }
0x3a: {  	s15 =	sshll.u32 s15, $0x4;
	[tilespmem:s14+$0x1C60] =	vst v0  }
0x3b: {  	s16 =	simm.s32 $0x0;
	s15 =	sadd.s32 s3, s15;
	[tilespmem:s14+$0x1C70] =	vst v1  }
0x3c: {  	[hbm4b:s15+s16] =	stream.linear.scatter [tilespmem:s19], [sflag:$0x6], $0x4000, $0x38;
	[tilespmem:$0x15C00] =	vst v63  }
0x3d: {  	_ =	swait.ge [sflag:s29], $0x4000  }
0x3e: {  	[sflag:s29] =	ssyncset.done $0x0  }
0x3f: {  	s14 =	simm.s32 $0x0;
	[sflag:s29] =	ssyncadd.s32 $0xFFFFC000  }
0x40: {  	v3 =	vld [tilespmem:s14+$0x5C00]  }
0x41: {  	v5 =	vld [tilespmem:s14+$0x5C10]  }
0x42: {  	v4 =	vld [tilespmem:s14+$0x5C20]  }
0x43: {  	v2 =	vld [tilespmem:s14+$0x5C30]  }
0x44: {  	v0 =	vld [tilespmem:s14+$0x5C40]  }
0x45: {  	v1 =	vld [tilespmem:s14+$0x5C50];
	v6 =	vmul.f32 $1.131370830e+01, v3  }
0x46: {  	s15 =	simm.s32 $0x200;
	v5 =	vmul.f32 $1.131370830e+01, v5;
	v3 =	vld [tilespmem:s14+$0x5C60]  }
.LBB2_5:
0x47: {  	s16 =	sshra.s32 s15, $0x2;
	p0 =	sne.s32 s15, $0xFE00;
	[tilespmem:s14+$0x5C00] =	vst v6;
	v4 =	vmul.f32 $1.131370830e+01, v4;
	v6 =	vld [tilespmem:s14+$0x5C70]  }
0x48: {  	v7 =	vld [tilespmem:s16+$0x5C00];
	[tilespmem:s14+$0x5C10] =	vst v5;
	v2 =	vmul.f32 $1.131370830e+01, v2  }
0x49: {  	v5 =	vld [tilespmem:s16+$0x5C10];
	[tilespmem:s14+$0x5C20] =	vst v4;
	v0 =	vmul.f32 $1.131370830e+01, v0  }
.Ltmp1:
0x4a: {  	v4 =	vld [tilespmem:s16+$0x5C20];
	[tilespmem:s14+$0x5C30] =	vst v2;
	v1 =	vmul.f32 $1.131370830e+01, v1;
	(pc) =	sbr.rel @p0 .LBB2_5-.Ltmp1, $4  }
0x4b: {  	v2 =	vld [tilespmem:s16+$0x5C30];
	[tilespmem:s14+$0x5C40] =	vst v0;
	v3 =	vmul.f32 $1.131370830e+01, v3  }
0x4c: {  	v0 =	vld [tilespmem:s16+$0x5C40];
	[tilespmem:s14+$0x5C50] =	vst v1;
	v8 =	vmul.f32 $1.131370830e+01, v6  }
0x4d: {  	v6 =	vmul.f32 $1.131370830e+01, v7;
	v1 =	vld [tilespmem:s16+$0x5C50];
	[tilespmem:s14+$0x5C60] =	vst v3  }
0x4e: {  	s15 =	sadd.s32 $0x200, s15;
	v5 =	vmul.f32 $1.131370830e+01, v5;
	v3 =	vld [tilespmem:s16+$0x5C60];
	[tilespmem:s14+$0x5C70] =	vst v8;
	s14 =	smov.u32 s16  }
0x4f: {  	[tilespmem:s14+$0x5C00] =	vst v6;
	v4 =	vmul.f32 $1.131370830e+01, v4;
	v6 =	vld [tilespmem:s14+$0x5C70]  }
0x50: {  	[tilespmem:s14+$0x5C10] =	vst v5;
	v2 =	vmul.f32 $1.131370830e+01, v2  }
0x51: {  	[tilespmem:s14+$0x5C20] =	vst v4;
	v0 =	vmul.f32 $1.131370830e+01, v0  }
0x52: {  	[tilespmem:s14+$0x5C30] =	vst v2;
	v1 =	vmul.f32 $1.131370830e+01, v1  }
0x53: {  	[tilespmem:s14+$0x5C40] =	vst v0;
	v0 =	vmul.f32 $1.131370830e+01, v3  }
0x54: {  	s15 =	sadd.s32 s13, s7;
	[tilespmem:s14+$0x5C50] =	vst v1;
	v1 =	vmul.f32 $1.131370830e+01, v6  }
0x55: {  	s15 =	sshll.u32 s15, $0x4;
	[tilespmem:s14+$0x5C60] =	vst v0  }
0x56: {  	s16 =	simm.s32 $0x0;
	s15 =	sadd.s32 s3, s15;
	[tilespmem:s14+$0x5C70] =	vst v1  }
0x57: {  	[hbm4b:s15+s16] =	stream.linear.scatter [tilespmem:s20], [sflag:$0x7], $0x4000, $0x38;
	[tilespmem:$0x15C00] =	vst v63  }
0x58: {  	_ =	swait.ge [sflag:s30], $0x4000  }
0x59: {  	[sflag:s30] =	ssyncset.done $0x0  }
0x5a: {  	s14 =	simm.s32 $0x0;
	[sflag:s30] =	ssyncadd.s32 $0xFFFFC000  }
0x5b: {  	v3 =	vld [tilespmem:s14+$0x9C00]  }
0x5c: {  	v5 =	vld [tilespmem:s14+$0x9C10]  }
0x5d: {  	v4 =	vld [tilespmem:s14+$0x9C20]  }
0x5e: {  	v2 =	vld [tilespmem:s14+$0x9C30]  }
0x5f: {  	v0 =	vld [tilespmem:s14+$0x9C40]  }
0x60: {  	v1 =	vld [tilespmem:s14+$0x9C50];
	v6 =	vmul.f32 $1.131370830e+01, v3  }
0x61: {  	s15 =	simm.s32 $0x200;
	v5 =	vmul.f32 $1.131370830e+01, v5;
	v3 =	vld [tilespmem:s14+$0x9C60]  }
.LBB2_7:
0x62: {  	s16 =	sshra.s32 s15, $0x2;
	p0 =	sne.s32 s15, $0xFE00;
	[tilespmem:s14+$0x9C00] =	vst v6;
	v4 =	vmul.f32 $1.131370830e+01, v4;
	v6 =	vld [tilespmem:s14+$0x9C70]  }
0x63: {  	v7 =	vld [tilespmem:s16+$0x9C00];
	[tilespmem:s14+$0x9C10] =	vst v5;
	v2 =	vmul.f32 $1.131370830e+01, v2  }
0x64: {  	v5 =	vld [tilespmem:s16+$0x9C10];
	[tilespmem:s14+$0x9C20] =	vst v4;
	v0 =	vmul.f32 $1.131370830e+01, v0  }
.Ltmp2:
0x65: {  	v4 =	vld [tilespmem:s16+$0x9C20];
	[tilespmem:s14+$0x9C30] =	vst v2;
	v1 =	vmul.f32 $1.131370830e+01, v1;
	(pc) =	sbr.rel @p0 .LBB2_7-.Ltmp2, $4  }
0x66: {  	v2 =	vld [tilespmem:s16+$0x9C30];
	[tilespmem:s14+$0x9C40] =	vst v0;
	v3 =	vmul.f32 $1.131370830e+01, v3  }
0x67: {  	v0 =	vld [tilespmem:s16+$0x9C40];
	[tilespmem:s14+$0x9C50] =	vst v1;
	v8 =	vmul.f32 $1.131370830e+01, v6  }
0x68: {  	v6 =	vmul.f32 $1.131370830e+01, v7;
	v1 =	vld [tilespmem:s16+$0x9C50];
	[tilespmem:s14+$0x9C60] =	vst v3  }
0x69: {  	s15 =	sadd.s32 $0x200, s15;
	v5 =	vmul.f32 $1.131370830e+01, v5;
	v3 =	vld [tilespmem:s16+$0x9C60];
	[tilespmem:s14+$0x9C70] =	vst v8;
	s14 =	smov.u32 s16  }
0x6a: {  	[tilespmem:s14+$0x9C00] =	vst v6;
	v4 =	vmul.f32 $1.131370830e+01, v4;
	v6 =	vld [tilespmem:s14+$0x9C70]  }
0x6b: {  	[tilespmem:s14+$0x9C10] =	vst v5;
	v2 =	vmul.f32 $1.131370830e+01, v2  }
0x6c: {  	[tilespmem:s14+$0x9C20] =	vst v4;
	v0 =	vmul.f32 $1.131370830e+01, v0  }
0x6d: {  	[tilespmem:s14+$0x9C30] =	vst v2;
	v1 =	vmul.f32 $1.131370830e+01, v1  }
0x6e: {  	[tilespmem:s14+$0x9C40] =	vst v0;
	v0 =	vmul.f32 $1.131370830e+01, v3  }
0x6f: {  	s15 =	sadd.s32 s13, s8;
	[tilespmem:s14+$0x9C50] =	vst v1;
	v1 =	vmul.f32 $1.131370830e+01, v6  }
0x70: {  	s15 =	sshll.u32 s15, $0x4;
	[tilespmem:s14+$0x9C60] =	vst v0  }
0x71: {  	s16 =	simm.s32 $0x0;
	s15 =	sadd.s32 s3, s15;
	[tilespmem:s14+$0x9C70] =	vst v1  }
0x72: {  	[hbm4b:s15+s16] =	stream.linear.scatter [tilespmem:s22], [sflag:$0x8], $0x4000, $0x38;
	[tilespmem:$0x15C00] =	vst v63  }
0x73: {  	_ =	swait.ge [sflag:s31], $0x4000  }
0x74: {  	[sflag:s31] =	ssyncset.done $0x0  }
0x75: {  	s14 =	simm.s32 $0x0;
	[sflag:s31] =	ssyncadd.s32 $0xFFFFC000  }
0x76: {  	v3 =	vld [tilespmem:s14+$0xDC00]  }
0x77: {  	v5 =	vld [tilespmem:s14+$0xDC10]  }
0x78: {  	v4 =	vld [tilespmem:s14+$0xDC20]  }
0x79: {  	v2 =	vld [tilespmem:s14+$0xDC30]  }
0x7a: {  	v0 =	vld [tilespmem:s14+$0xDC40]  }
0x7b: {  	v1 =	vld [tilespmem:s14+$0xDC50];
	v6 =	vmul.f32 $1.131370830e+01, v3  }
0x7c: {  	s15 =	simm.s32 $0x200;
	v5 =	vmul.f32 $1.131370830e+01, v5;
	v3 =	vld [tilespmem:s14+$0xDC60]  }
.LBB2_9:
0x7d: {  	s16 =	sshra.s32 s15, $0x2;
	p0 =	sne.s32 s15, $0xFE00;
	[tilespmem:s14+$0xDC00] =	vst v6;
	v4 =	vmul.f32 $1.131370830e+01, v4;
	v6 =	vld [tilespmem:s14+$0xDC70]  }
0x7e: {  	v7 =	vld [tilespmem:s16+$0xDC00];
	[tilespmem:s14+$0xDC10] =	vst v5;
	v2 =	vmul.f32 $1.131370830e+01, v2  }
0x7f: {  	v5 =	vld [tilespmem:s16+$0xDC10];
	[tilespmem:s14+$0xDC20] =	vst v4;
	v0 =	vmul.f32 $1.131370830e+01, v0  }
.Ltmp3:
0x80: {  	v4 =	vld [tilespmem:s16+$0xDC20];
	[tilespmem:s14+$0xDC30] =	vst v2;
	v1 =	vmul.f32 $1.131370830e+01, v1;
	(pc) =	sbr.rel @p0 .LBB2_9-.Ltmp3, $4  }
0x81: {  	v2 =	vld [tilespmem:s16+$0xDC30];
	[tilespmem:s14+$0xDC40] =	vst v0;
	v3 =	vmul.f32 $1.131370830e+01, v3  }
0x82: {  	v0 =	vld [tilespmem:s16+$0xDC40];
	[tilespmem:s14+$0xDC50] =	vst v1;
	v8 =	vmul.f32 $1.131370830e+01, v6  }
0x83: {  	v6 =	vmul.f32 $1.131370830e+01, v7;
	v1 =	vld [tilespmem:s16+$0xDC50];
	[tilespmem:s14+$0xDC60] =	vst v3  }
0x84: {  	s15 =	sadd.s32 $0x200, s15;
	v5 =	vmul.f32 $1.131370830e+01, v5;
	v3 =	vld [tilespmem:s16+$0xDC60];
	[tilespmem:s14+$0xDC70] =	vst v8;
	s14 =	smov.u32 s16  }
0x85: {  	[tilespmem:s14+$0xDC00] =	vst v6;
	v4 =	vmul.f32 $1.131370830e+01, v4;
	v6 =	vld [tilespmem:s14+$0xDC70]  }
0x86: {  	[tilespmem:s14+$0xDC10] =	vst v5;
	v2 =	vmul.f32 $1.131370830e+01, v2  }
0x87: {  	[tilespmem:s14+$0xDC20] =	vst v4;
	v0 =	vmul.f32 $1.131370830e+01, v0  }
0x88: {  	[tilespmem:s14+$0xDC30] =	vst v2;
	v1 =	vmul.f32 $1.131370830e+01, v1  }
0x89: {  	[tilespmem:s14+$0xDC40] =	vst v0;
	v0 =	vmul.f32 $1.131370830e+01, v3  }
0x8a: {  	s15 =	sadd.s32 s13, s9;
	[tilespmem:s14+$0xDC50] =	vst v1;
	v1 =	vmul.f32 $1.131370830e+01, v6  }
0x8b: {  	s15 =	sshll.u32 s15, $0x4;
	[tilespmem:s14+$0xDC60] =	vst v0  }
0x8c: {  	s16 =	simm.s32 $0x0;
	s15 =	sadd.s32 s3, s15;
	[tilespmem:s14+$0xDC70] =	vst v1  }
0x8d: {  	[hbm4b:s15+s16] =	stream.linear.scatter [tilespmem:s24], [sflag:$0x9], $0x4000, $0x38;
	[tilespmem:$0x15C00] =	vst v63  }
0x8e: {  	_ =	swait.ge [sflag:s2], $0x4000  }
0x8f: {  	[sflag:s2] =	ssyncset.done $0x0  }
0x90: {  	s14 =	simm.s32 $0x0;
	[sflag:s2] =	ssyncadd.s32 $0xFFFFC000  }
0x91: {  	v3 =	vld [tilespmem:s14+$0x11C00]  }
0x92: {  	v5 =	vld [tilespmem:s14+$0x11C10]  }
0x93: {  	v4 =	vld [tilespmem:s14+$0x11C20]  }
0x94: {  	v2 =	vld [tilespmem:s14+$0x11C30]  }
0x95: {  	v0 =	vld [tilespmem:s14+$0x11C40]  }
0x96: {  	v1 =	vld [tilespmem:s14+$0x11C50];
	v6 =	vmul.f32 $1.131370830e+01, v3  }
0x97: {  	s15 =	simm.s32 $0x200;
	v5 =	vmul.f32 $1.131370830e+01, v5;
	v3 =	vld [tilespmem:s14+$0x11C60]  }
.LBB2_11:
0x98: {  	s16 =	sshra.s32 s15, $0x2;
	p0 =	sne.s32 s15, $0xFE00;
	[tilespmem:s14+$0x11C00] =	vst v6;
	v4 =	vmul.f32 $1.131370830e+01, v4;
	v6 =	vld [tilespmem:s14+$0x11C70]  }
0x99: {  	v7 =	vld [tilespmem:s16+$0x11C00];
	[tilespmem:s14+$0x11C10] =	vst v5;
	v2 =	vmul.f32 $1.131370830e+01, v2  }
0x9a: {  	v5 =	vld [tilespmem:s16+$0x11C10];
	[tilespmem:s14+$0x11C20] =	vst v4;
	v0 =	vmul.f32 $1.131370830e+01, v0  }
.Ltmp4:
0x9b: {  	v4 =	vld [tilespmem:s16+$0x11C20];
	[tilespmem:s14+$0x11C30] =	vst v2;
	v1 =	vmul.f32 $1.131370830e+01, v1;
	(pc) =	sbr.rel @p0 .LBB2_11-.Ltmp4, $4  }
0x9c: {  	v2 =	vld [tilespmem:s16+$0x11C30];
	[tilespmem:s14+$0x11C40] =	vst v0;
	v3 =	vmul.f32 $1.131370830e+01, v3  }
0x9d: {  	v0 =	vld [tilespmem:s16+$0x11C40];
	[tilespmem:s14+$0x11C50] =	vst v1;
	v8 =	vmul.f32 $1.131370830e+01, v6  }
0x9e: {  	v6 =	vmul.f32 $1.131370830e+01, v7;
	v1 =	vld [tilespmem:s16+$0x11C50];
	[tilespmem:s14+$0x11C60] =	vst v3  }
0x9f: {  	s15 =	sadd.s32 $0x200, s15;
	v5 =	vmul.f32 $1.131370830e+01, v5;
	v3 =	vld [tilespmem:s16+$0x11C60];
	[tilespmem:s14+$0x11C70] =	vst v8;
	s14 =	smov.u32 s16  }
0xa0: {  	[tilespmem:s14+$0x11C00] =	vst v6;
	v4 =	vmul.f32 $1.131370830e+01, v4;
	v61 =	vld [tilespmem:s14+$0x11C70]  }
0xa1: {  	[tilespmem:s14+$0x11C10] =	vst v5;
	v2 =	vmul.f32 $1.131370830e+01, v2  }
0xa2: {  	[tilespmem:s14+$0x11C20] =	vst v4;
	v0 =	vmul.f32 $1.131370830e+01, v0  }
0xa3: {  	[tilespmem:s14+$0x11C30] =	vst v2;
	v1 =	vmul.f32 $1.131370830e+01, v1  }
0xa4: {  	[tilespmem:s14+$0x11C40] =	vst v0;
	v62 =	vmul.f32 $1.131370830e+01, v3  }
0xa5: {  	s13 =	sadd.s32 s13, s10;
	[tilespmem:s14+$0x11C50] =	vst v1;
	v63 =	vmul.f32 $1.131370830e+01, v61  }
0xa6: {  	s13 =	sshll.u32 s13, $0x4;
	[tilespmem:s14+$0x11C60] =	vst v62  }
0xa7: {  	s13 =	sadd.s32 s3, s13;
	[tilespmem:s14+$0x11C70] =	vst v63;
	s14 =	smul.u32 $0xA00, s12  }
0xa8: {  	[hbm4b:s13+s4] =	stream.linear.scatter [tilespmem:s26], [sflag:$0xA], $0x4000, $0x38;
	[tilespmem:$0x15C00] =	vst v63  }
0xa9: {  	_ =	swait.ge [sflag:s0], $0x4000  }
0xaa: {  	s13 =	sshra.s32 s14, $0x2;
	[sflag:s0] =	ssyncset.done $0x0  }
0xab: {  	s15 =	sadd.s32 $0x280, s13;
	[sflag:s0] =	ssyncadd.s32 $0xFFFFC000  }
0xac: {  	[tilespmem:s19], [sflag:$0x1] =	stream.indirect.gather [hbm4b:s1+s18], $0x80, s15, s18, $0xb8;
	[tilespmem:$0x15C00] =	vst v63  }
0xad: {  	_ =	swait.ge [sflag:s21], $0x4000  }
0xae: {  	[sflag:s21] =	ssyncset.done $0x0  }
0xaf: {  	s16 =	sadd.s32 $0x300, s13;
	[sflag:s21] =	ssyncadd.s32 $0xFFFFC000  }
0xb0: {  	[tilespmem:s20], [sflag:$0x2] =	stream.indirect.gather [hbm4b:s1+s18], $0x80, s16, s18, $0xb8;
	[tilespmem:$0x15C00] =	vst v63  }
0xb1: {  	_ =	swait.ge [sflag:s23], $0x4000  }
0xb2: {  	[sflag:s23] =	ssyncset.done $0x0  }
0xb3: {  	s15 =	sadd.s32 $0x380, s13;
	[sflag:s23] =	ssyncadd.s32 $0xFFFFC000  }
0xb4: {  	[tilespmem:s22], [sflag:$0x3] =	stream.indirect.gather [hbm4b:s1+s18], $0x80, s15, s18, $0xb8;
	[tilespmem:$0x15C00] =	vst v63  }
0xb5: {  	_ =	swait.ge [sflag:s25], $0x4000  }
0xb6: {  	s12 =	sadd.s32 $0x1, s12;
	[sflag:s25] =	ssyncset.done $0x0  }
0xb7: {  	p0 =	sne.s32 s12, $0x9;
	s16 =	sadd.s32 $0x400, s13;
	[sflag:s25] =	ssyncadd.s32 $0xFFFFC000  }
0xb8: {  	[tilespmem:s24], [sflag:$0x4] =	stream.indirect.gather [hbm4b:s1+s18], $0x80, s16, s18, $0xb8;
	[tilespmem:$0x15C00] =	vst v63  }
.Ltmp5:
0xb9: {  	_ = 	snop;
	(pc) =	sbr.rel @p0 .LBB2_2-.Ltmp5, $4  }
0xba: {  	_ =	swait.ge [sflag:s6], $0x4000  }
0xbb: {  	[sflag:s6] =	ssyncset.done $0x0  }
0xbc: {  	s13 =	sadd.s32 $0x480, s13;
	[sflag:s6] =	ssyncadd.s32 $0xFFFFC000  }
0xbd: {  	[tilespmem:s26], [sflag:$0x5] =	stream.indirect.gather [hbm4b:s1+s18], $0x80, s13, s18, $0xb8;
	[tilespmem:$0x15C00] =	vst v63  }
0xbe: {  	_ =	swait.ge [sflag:s28], $0x4000  }
0xbf: {  	[sflag:s28] =	ssyncset.done $0x0  }
0xc0: {  	s12 =	simm.s32 $0x0;
	[sflag:s28] =	ssyncadd.s32 $0xFFFFC000  }
0xc1: {  	v3 =	vld [tilespmem:s12+$0x1C00]  }
0xc2: {  	v5 =	vld [tilespmem:s12+$0x1C10]  }
0xc3: {  	v4 =	vld [tilespmem:s12+$0x1C20]  }
0xc4: {  	v2 =	vld [tilespmem:s12+$0x1C30]  }
0xc5: {  	v0 =	vld [tilespmem:s12+$0x1C40]  }
0xc6: {  	v1 =	vld [tilespmem:s12+$0x1C50];
	v6 =	vmul.f32 $1.131370830e+01, v3  }
0xc7: {  	s13 =	simm.s32 $0x200;
	v5 =	vmul.f32 $1.131370830e+01, v5;
	v3 =	vld [tilespmem:s12+$0x1C60]  }
.LBB2_14:
0xc8: {  	s14 =	sshra.s32 s13, $0x2;
	p0 =	sne.s32 s13, $0xFE00;
	[tilespmem:s12+$0x1C00] =	vst v6;
	v4 =	vmul.f32 $1.131370830e+01, v4;
	v6 =	vld [tilespmem:s12+$0x1C70]  }
0xc9: {  	v7 =	vld [tilespmem:s14+$0x1C00];
	[tilespmem:s12+$0x1C10] =	vst v5;
	v2 =	vmul.f32 $1.131370830e+01, v2  }
0xca: {  	v5 =	vld [tilespmem:s14+$0x1C10];
	[tilespmem:s12+$0x1C20] =	vst v4;
	v0 =	vmul.f32 $1.131370830e+01, v0  }
.Ltmp6:
0xcb: {  	v4 =	vld [tilespmem:s14+$0x1C20];
	[tilespmem:s12+$0x1C30] =	vst v2;
	v1 =	vmul.f32 $1.131370830e+01, v1;
	(pc) =	sbr.rel @p0 .LBB2_14-.Ltmp6, $4  }
0xcc: {  	v2 =	vld [tilespmem:s14+$0x1C30];
	[tilespmem:s12+$0x1C40] =	vst v0;
	v3 =	vmul.f32 $1.131370830e+01, v3  }
0xcd: {  	v0 =	vld [tilespmem:s14+$0x1C40];
	[tilespmem:s12+$0x1C50] =	vst v1;
	v8 =	vmul.f32 $1.131370830e+01, v6  }
0xce: {  	v6 =	vmul.f32 $1.131370830e+01, v7;
	v1 =	vld [tilespmem:s14+$0x1C50];
	[tilespmem:s12+$0x1C60] =	vst v3  }
0xcf: {  	s13 =	sadd.s32 $0x200, s13;
	v5 =	vmul.f32 $1.131370830e+01, v5;
	v3 =	vld [tilespmem:s14+$0x1C60];
	[tilespmem:s12+$0x1C70] =	vst v8;
	s12 =	smov.u32 s14  }
0xd0: {  	[tilespmem:s12+$0x1C00] =	vst v6;
	v4 =	vmul.f32 $1.131370830e+01, v4;
	v6 =	vld [tilespmem:s12+$0x1C70]  }
0xd1: {  	[tilespmem:s12+$0x1C10] =	vst v5;
	v2 =	vmul.f32 $1.131370830e+01, v2  }
0xd2: {  	[tilespmem:s12+$0x1C20] =	vst v4;
	v0 =	vmul.f32 $1.131370830e+01, v0  }
0xd3: {  	[tilespmem:s12+$0x1C30] =	vst v2;
	v1 =	vmul.f32 $1.131370830e+01, v1  }
0xd4: {  	[tilespmem:s12+$0x1C40] =	vst v0;
	v0 =	vmul.f32 $1.131370830e+01, v3  }
0xd5: {  	[tilespmem:s12+$0x1C50] =	vst v1;
	v1 =	vmul.f32 $1.131370830e+01, v6  }
0xd6: {  	[tilespmem:s12+$0x1C60] =	vst v0  }
0xd7: {  	s16 =	simm.s32 $0x0;
	s13 =	rddreg [dreg:$0x5];
	[tilespmem:s12+$0x1C70] =	vst v1  }
0xd8: {  	[hbm4b:s13+s16] =	stream.linear.scatter [tilespmem:s19], [sflag:$0x6], $0x4000, $0x38;
	[tilespmem:$0x15C00] =	vst v63  }
0xd9: {  	_ =	swait.ge [sflag:s29], $0x4000  }
0xda: {  	[sflag:s29] =	ssyncset.done $0x0  }
0xdb: {  	s12 =	simm.s32 $0x0;
	[sflag:s29] =	ssyncadd.s32 $0xFFFFC000  }
0xdc: {  	v3 =	vld [tilespmem:s12+$0x5C00]  }
0xdd: {  	v5 =	vld [tilespmem:s12+$0x5C10]  }
0xde: {  	v4 =	vld [tilespmem:s12+$0x5C20]  }
0xdf: {  	v2 =	vld [tilespmem:s12+$0x5C30]  }
0xe0: {  	v0 =	vld [tilespmem:s12+$0x5C40]  }
0xe1: {  	v1 =	vld [tilespmem:s12+$0x5C50];
	v6 =	vmul.f32 $1.131370830e+01, v3  }
0xe2: {  	s13 =	simm.s32 $0x200;
	v5 =	vmul.f32 $1.131370830e+01, v5;
	v3 =	vld [tilespmem:s12+$0x5C60]  }
.LBB2_16:
0xe3: {  	s14 =	sshra.s32 s13, $0x2;
	p0 =	sne.s32 s13, $0xFE00;
	[tilespmem:s12+$0x5C00] =	vst v6;
	v4 =	vmul.f32 $1.131370830e+01, v4;
	v6 =	vld [tilespmem:s12+$0x5C70]  }
0xe4: {  	v7 =	vld [tilespmem:s14+$0x5C00];
	[tilespmem:s12+$0x5C10] =	vst v5;
	v2 =	vmul.f32 $1.131370830e+01, v2  }
0xe5: {  	v5 =	vld [tilespmem:s14+$0x5C10];
	[tilespmem:s12+$0x5C20] =	vst v4;
	v0 =	vmul.f32 $1.131370830e+01, v0  }
.Ltmp7:
0xe6: {  	v4 =	vld [tilespmem:s14+$0x5C20];
	[tilespmem:s12+$0x5C30] =	vst v2;
	v1 =	vmul.f32 $1.131370830e+01, v1;
	(pc) =	sbr.rel @p0 .LBB2_16-.Ltmp7, $4  }
0xe7: {  	v2 =	vld [tilespmem:s14+$0x5C30];
	[tilespmem:s12+$0x5C40] =	vst v0;
	v3 =	vmul.f32 $1.131370830e+01, v3  }
0xe8: {  	v0 =	vld [tilespmem:s14+$0x5C40];
	[tilespmem:s12+$0x5C50] =	vst v1;
	v8 =	vmul.f32 $1.131370830e+01, v6  }
0xe9: {  	v6 =	vmul.f32 $1.131370830e+01, v7;
	v1 =	vld [tilespmem:s14+$0x5C50];
	[tilespmem:s12+$0x5C60] =	vst v3  }
0xea: {  	s13 =	sadd.s32 $0x200, s13;
	v5 =	vmul.f32 $1.131370830e+01, v5;
	v3 =	vld [tilespmem:s14+$0x5C60];
	[tilespmem:s12+$0x5C70] =	vst v8;
	s12 =	smov.u32 s14  }
0xeb: {  	[tilespmem:s12+$0x5C00] =	vst v6;
	v4 =	vmul.f32 $1.131370830e+01, v4;
	v6 =	vld [tilespmem:s12+$0x5C70]  }
0xec: {  	[tilespmem:s12+$0x5C10] =	vst v5;
	v2 =	vmul.f32 $1.131370830e+01, v2  }
0xed: {  	[tilespmem:s12+$0x5C20] =	vst v4;
	v0 =	vmul.f32 $1.131370830e+01, v0  }
0xee: {  	[tilespmem:s12+$0x5C30] =	vst v2;
	v1 =	vmul.f32 $1.131370830e+01, v1  }
0xef: {  	[tilespmem:s12+$0x5C40] =	vst v0;
	v0 =	vmul.f32 $1.131370830e+01, v3  }
0xf0: {  	[tilespmem:s12+$0x5C50] =	vst v1;
	v1 =	vmul.f32 $1.131370830e+01, v6  }
0xf1: {  	[tilespmem:s12+$0x5C60] =	vst v0  }
0xf2: {  	s16 =	simm.s32 $0x0;
	s13 =	rddreg [dreg:$0x6];
	[tilespmem:s12+$0x5C70] =	vst v1  }
0xf3: {  	[hbm4b:s13+s16] =	stream.linear.scatter [tilespmem:s20], [sflag:$0x7], $0x4000, $0x38;
	[tilespmem:$0x15C00] =	vst v63  }
0xf4: {  	_ =	swait.ge [sflag:s30], $0x4000  }
0xf5: {  	[sflag:s30] =	ssyncset.done $0x0  }
0xf6: {  	s12 =	simm.s32 $0x0;
	[sflag:s30] =	ssyncadd.s32 $0xFFFFC000  }
0xf7: {  	v3 =	vld [tilespmem:s12+$0x9C00]  }
0xf8: {  	v5 =	vld [tilespmem:s12+$0x9C10]  }
0xf9: {  	v4 =	vld [tilespmem:s12+$0x9C20]  }
0xfa: {  	v2 =	vld [tilespmem:s12+$0x9C30]  }
0xfb: {  	v0 =	vld [tilespmem:s12+$0x9C40]  }
0xfc: {  	v1 =	vld [tilespmem:s12+$0x9C50];
	v6 =	vmul.f32 $1.131370830e+01, v3  }
0xfd: {  	s13 =	simm.s32 $0x200;
	v5 =	vmul.f32 $1.131370830e+01, v5;
	v3 =	vld [tilespmem:s12+$0x9C60]  }
.LBB2_18:
0xfe: {  	s14 =	sshra.s32 s13, $0x2;
	p0 =	sne.s32 s13, $0xFE00;
	[tilespmem:s12+$0x9C00] =	vst v6;
	v4 =	vmul.f32 $1.131370830e+01, v4;
	v6 =	vld [tilespmem:s12+$0x9C70]  }
0xff: {  	v7 =	vld [tilespmem:s14+$0x9C00];
	[tilespmem:s12+$0x9C10] =	vst v5;
	v2 =	vmul.f32 $1.131370830e+01, v2  }
0x100: {  	v5 =	vld [tilespmem:s14+$0x9C10];
	[tilespmem:s12+$0x9C20] =	vst v4;
	v0 =	vmul.f32 $1.131370830e+01, v0  }
.Ltmp8:
0x101: {  	v4 =	vld [tilespmem:s14+$0x9C20];
	[tilespmem:s12+$0x9C30] =	vst v2;
	v1 =	vmul.f32 $1.131370830e+01, v1;
	(pc) =	sbr.rel @p0 .LBB2_18-.Ltmp8, $4  }
0x102: {  	v2 =	vld [tilespmem:s14+$0x9C30];
	[tilespmem:s12+$0x9C40] =	vst v0;
	v3 =	vmul.f32 $1.131370830e+01, v3  }
0x103: {  	v0 =	vld [tilespmem:s14+$0x9C40];
	[tilespmem:s12+$0x9C50] =	vst v1;
	v8 =	vmul.f32 $1.131370830e+01, v6  }
0x104: {  	v6 =	vmul.f32 $1.131370830e+01, v7;
	v1 =	vld [tilespmem:s14+$0x9C50];
	[tilespmem:s12+$0x9C60] =	vst v3  }
0x105: {  	s13 =	sadd.s32 $0x200, s13;
	v5 =	vmul.f32 $1.131370830e+01, v5;
	v3 =	vld [tilespmem:s14+$0x9C60];
	[tilespmem:s12+$0x9C70] =	vst v8;
	s12 =	smov.u32 s14  }
0x106: {  	[tilespmem:s12+$0x9C00] =	vst v6;
	v4 =	vmul.f32 $1.131370830e+01, v4;
	v6 =	vld [tilespmem:s12+$0x9C70]  }
0x107: {  	[tilespmem:s12+$0x9C10] =	vst v5;
	v2 =	vmul.f32 $1.131370830e+01, v2  }
0x108: {  	[tilespmem:s12+$0x9C20] =	vst v4;
	v0 =	vmul.f32 $1.131370830e+01, v0  }
0x109: {  	[tilespmem:s12+$0x9C30] =	vst v2;
	v1 =	vmul.f32 $1.131370830e+01, v1  }
0x10a: {  	[tilespmem:s12+$0x9C40] =	vst v0;
	v0 =	vmul.f32 $1.131370830e+01, v3  }
0x10b: {  	[tilespmem:s12+$0x9C50] =	vst v1;
	v1 =	vmul.f32 $1.131370830e+01, v6  }
0x10c: {  	[tilespmem:s12+$0x9C60] =	vst v0  }
0x10d: {  	s16 =	simm.s32 $0x0;
	s13 =	rddreg [dreg:$0x7];
	[tilespmem:s12+$0x9C70] =	vst v1  }
0x10e: {  	[hbm4b:s13+s16] =	stream.linear.scatter [tilespmem:s22], [sflag:$0x8], $0x4000, $0x38;
	[tilespmem:$0x15C00] =	vst v63  }
0x10f: {  	_ =	swait.ge [sflag:s31], $0x4000  }
0x110: {  	[sflag:s31] =	ssyncset.done $0x0  }
0x111: {  	s12 =	simm.s32 $0x0;
	[sflag:s31] =	ssyncadd.s32 $0xFFFFC000  }
0x112: {  	v3 =	vld [tilespmem:s12+$0xDC00]  }
0x113: {  	v5 =	vld [tilespmem:s12+$0xDC10]  }
0x114: {  	v4 =	vld [tilespmem:s12+$0xDC20]  }
0x115: {  	v2 =	vld [tilespmem:s12+$0xDC30]  }
0x116: {  	v0 =	vld [tilespmem:s12+$0xDC40]  }
0x117: {  	v1 =	vld [tilespmem:s12+$0xDC50];
	v6 =	vmul.f32 $1.131370830e+01, v3  }
0x118: {  	s13 =	simm.s32 $0x200;
	v5 =	vmul.f32 $1.131370830e+01, v5;
	v3 =	vld [tilespmem:s12+$0xDC60]  }
.LBB2_20:
0x119: {  	s14 =	sshra.s32 s13, $0x2;
	p0 =	sne.s32 s13, $0xFE00;
	[tilespmem:s12+$0xDC00] =	vst v6;
	v4 =	vmul.f32 $1.131370830e+01, v4;
	v6 =	vld [tilespmem:s12+$0xDC70]  }
0x11a: {  	v7 =	vld [tilespmem:s14+$0xDC00];
	[tilespmem:s12+$0xDC10] =	vst v5;
	v2 =	vmul.f32 $1.131370830e+01, v2  }
0x11b: {  	v5 =	vld [tilespmem:s14+$0xDC10];
	[tilespmem:s12+$0xDC20] =	vst v4;
	v0 =	vmul.f32 $1.131370830e+01, v0  }
.Ltmp9:
0x11c: {  	v4 =	vld [tilespmem:s14+$0xDC20];
	[tilespmem:s12+$0xDC30] =	vst v2;
	v1 =	vmul.f32 $1.131370830e+01, v1;
	(pc) =	sbr.rel @p0 .LBB2_20-.Ltmp9, $4  }
0x11d: {  	v2 =	vld [tilespmem:s14+$0xDC30];
	[tilespmem:s12+$0xDC40] =	vst v0;
	v3 =	vmul.f32 $1.131370830e+01, v3  }
0x11e: {  	v0 =	vld [tilespmem:s14+$0xDC40];
	[tilespmem:s12+$0xDC50] =	vst v1;
	v8 =	vmul.f32 $1.131370830e+01, v6  }
0x11f: {  	v6 =	vmul.f32 $1.131370830e+01, v7;
	v1 =	vld [tilespmem:s14+$0xDC50];
	[tilespmem:s12+$0xDC60] =	vst v3  }
0x120: {  	s13 =	sadd.s32 $0x200, s13;
	v5 =	vmul.f32 $1.131370830e+01, v5;
	v3 =	vld [tilespmem:s14+$0xDC60];
	[tilespmem:s12+$0xDC70] =	vst v8;
	s12 =	smov.u32 s14  }
0x121: {  	[tilespmem:s12+$0xDC00] =	vst v6;
	v4 =	vmul.f32 $1.131370830e+01, v4;
	v6 =	vld [tilespmem:s12+$0xDC70]  }
0x122: {  	[tilespmem:s12+$0xDC10] =	vst v5;
	v2 =	vmul.f32 $1.131370830e+01, v2  }
0x123: {  	[tilespmem:s12+$0xDC20] =	vst v4;
	v0 =	vmul.f32 $1.131370830e+01, v0  }
0x124: {  	[tilespmem:s12+$0xDC30] =	vst v2;
	v1 =	vmul.f32 $1.131370830e+01, v1  }
0x125: {  	[tilespmem:s12+$0xDC40] =	vst v0;
	v0 =	vmul.f32 $1.131370830e+01, v3  }
0x126: {  	[tilespmem:s12+$0xDC50] =	vst v1;
	v1 =	vmul.f32 $1.131370830e+01, v6  }
0x127: {  	[tilespmem:s12+$0xDC60] =	vst v0  }
0x128: {  	s16 =	simm.s32 $0x0;
	s13 =	rddreg [dreg:$0x8];
	[tilespmem:s12+$0xDC70] =	vst v1  }
0x129: {  	[hbm4b:s13+s16] =	stream.linear.scatter [tilespmem:s24], [sflag:$0x9], $0x4000, $0x38;
	[tilespmem:$0x15C00] =	vst v63  }
0x12a: {  	_ =	swait.ge [sflag:s2], $0x4000  }
0x12b: {  	[sflag:s2] =	ssyncset.done $0x0  }
0x12c: {  	s12 =	simm.s32 $0x0;
	[sflag:s2] =	ssyncadd.s32 $0xFFFFC000  }
0x12d: {  	v3 =	vld [tilespmem:s12+$0x11C00]  }
0x12e: {  	v5 =	vld [tilespmem:s12+$0x11C10]  }
0x12f: {  	v4 =	vld [tilespmem:s12+$0x11C20]  }
0x130: {  	v2 =	vld [tilespmem:s12+$0x11C30]  }
0x131: {  	v0 =	vld [tilespmem:s12+$0x11C40]  }
0x132: {  	v1 =	vld [tilespmem:s12+$0x11C50];
	v6 =	vmul.f32 $1.131370830e+01, v3  }
0x133: {  	s13 =	simm.s32 $0x200;
	v5 =	vmul.f32 $1.131370830e+01, v5;
	v3 =	vld [tilespmem:s12+$0x11C60]  }
.LBB2_22:
0x134: {  	s14 =	sshra.s32 s13, $0x2;
	p0 =	sne.s32 s13, $0xFE00;
	[tilespmem:s12+$0x11C00] =	vst v6;
	v4 =	vmul.f32 $1.131370830e+01, v4;
	v6 =	vld [tilespmem:s12+$0x11C70]  }
0x135: {  	v7 =	vld [tilespmem:s14+$0x11C00];
	[tilespmem:s12+$0x11C10] =	vst v5;
	v2 =	vmul.f32 $1.131370830e+01, v2  }
0x136: {  	v5 =	vld [tilespmem:s14+$0x11C10];
	[tilespmem:s12+$0x11C20] =	vst v4;
	v0 =	vmul.f32 $1.131370830e+01, v0  }
.Ltmp10:
0x137: {  	v4 =	vld [tilespmem:s14+$0x11C20];
	[tilespmem:s12+$0x11C30] =	vst v2;
	v1 =	vmul.f32 $1.131370830e+01, v1;
	(pc) =	sbr.rel @p0 .LBB2_22-.Ltmp10, $4  }
0x138: {  	v2 =	vld [tilespmem:s14+$0x11C30];
	[tilespmem:s12+$0x11C40] =	vst v0;
	v3 =	vmul.f32 $1.131370830e+01, v3  }
0x139: {  	v0 =	vld [tilespmem:s14+$0x11C40];
	[tilespmem:s12+$0x11C50] =	vst v1;
	v8 =	vmul.f32 $1.131370830e+01, v6  }
0x13a: {  	v6 =	vmul.f32 $1.131370830e+01, v7;
	v1 =	vld [tilespmem:s14+$0x11C50];
	[tilespmem:s12+$0x11C60] =	vst v3  }
0x13b: {  	s13 =	sadd.s32 $0x200, s13;
	v5 =	vmul.f32 $1.131370830e+01, v5;
	v3 =	vld [tilespmem:s14+$0x11C60];
	[tilespmem:s12+$0x11C70] =	vst v8;
	s12 =	smov.u32 s14  }
0x13c: {  	[tilespmem:s12+$0x11C00] =	vst v6;
	v4 =	vmul.f32 $1.131370830e+01, v4;
	v61 =	vld [tilespmem:s12+$0x11C70]  }
0x13d: {  	[tilespmem:s12+$0x11C10] =	vst v5;
	v2 =	vmul.f32 $1.131370830e+01, v2  }
0x13e: {  	[tilespmem:s12+$0x11C20] =	vst v4;
	v0 =	vmul.f32 $1.131370830e+01, v0  }
0x13f: {  	[tilespmem:s12+$0x11C30] =	vst v2;
	v1 =	vmul.f32 $1.131370830e+01, v1  }
0x140: {  	[tilespmem:s12+$0x11C40] =	vst v0;
	v62 =	vmul.f32 $1.131370830e+01, v3  }
0x141: {  	[tilespmem:s12+$0x11C50] =	vst v1;
	v63 =	vmul.f32 $1.131370830e+01, v61  }
0x142: {  	[tilespmem:s12+$0x11C60] =	vst v62  }
0x143: {  	s15 =	rddreg [dreg:$0x9];
	[tilespmem:s12+$0x11C70] =	vst v63  }
0x144: {  	[hbm4b:s15+s4] =	stream.linear.scatter [tilespmem:s26], [sflag:$0xA], $0x4000, $0x38;
	[tilespmem:$0x15C00] =	vst v63  }
0x145: {  	_ =	swait.ge [sflag:s0], $0x4000  }
0x146: {  	[sflag:s0] =	ssyncset.done $0x0  }
0x147: {  	[sflag:s0] =	ssyncadd.s32 $0xFFFFC000  }
0x148: {  	_ =	swait.ge [sflag:s21], $0x4000  }
0x149: {  	[sflag:s21] =	ssyncset.done $0x0  }
0x14a: {  	[sflag:s21] =	ssyncadd.s32 $0xFFFFC000  }
0x14b: {  	_ =	swait.ge [sflag:s23], $0x4000  }
0x14c: {  	[sflag:s23] =	ssyncset.done $0x0  }
0x14d: {  	[sflag:s23] =	ssyncadd.s32 $0xFFFFC000  }
0x14e: {  	_ =	swait.ge [sflag:s25], $0x4000  }
0x14f: {  	[sflag:s25] =	ssyncset.done $0x0  }
0x150: {  	[sflag:s25] =	ssyncadd.s32 $0xFFFFC000  }
0x151: {  	_ =	swait.ge [sflag:s6], $0x4000  }
0x152: {  	s11 =	sadd.s32 $0x1, s11;
	s16 =	rddreg [dreg:$0xa]  }
0x153: {  	p0 =	sne.s32 s11, s16  }
.Ltmp11:
0x154: {  	_ = 	snop;
	(pc) =	sbr.rel @p0 .LBB2_1-.Ltmp11, $3  }
0x155: {  	_ =	sdelay $0x1  }
0x156: {  	[sflag:s6] =	ssyncset.done $0x0  }
0x157: {  	[sflag:s6] =	ssyncadd.s32 $0xFFFFC000  }
0x158: {  	_ =	sfence.sel $0x180000  }
0x159: {  	[bflag:$0x0] =	sbarrier.arrive $0xFFFF  }
0x15a: {  	_ =	strace $0x90000047  }
0x15b: {  	s0 =	stileid.u32;
	[bflag:$0x2] =	sbarrier.arrive $0xFFFF  }
0x15c: {  	p0 =	sne.s32 s0, $0x0;
	s0 =	rddreg [dreg:$0x3]  }
0x15d: {  	s0 =	sadd.s32 @!p0 $0x100000, s0  }
0x15e: {  	[sflag:s0] =	ssyncadd.tile.s32 @!p0 $0x1;
	_ =	shalt  }
.Lfunc_end2:
_tile_overlayer_lowered:
.L_overlay_start_2:
0x15f: {  	(tag) =	ssettag $0x2  }
0x160: {  	s0 =	rddreg [dreg:$0x0];
	s2 =	stileid.u32  }
0x161: {  	s1 =	rddreg [dreg:$0x1];
	p0 =	sne.s32 s2, $0x0  }
0x162: {  	s3 =	rddreg [dreg:$0x2];
	[bflag:$0x3] =	sbarrier.arrive $0xFFFF;
	s2 =	simm.s32 @!p0 $0x1C0B  }
0x163: {  	[timem:s3], [sflag:s2] =	dma.local @!p0 [hbm:s0], s1  }
0x164: {  	s0 =	simm.s32 @!p0 $0xB  }
0x165: {  	_ =	swait.ge @!p0 [sflag:s0], s1  }
0x166: {  	s1 =	ssub.s32 @!p0 $0x0, s1;
	[sflag:s0] =	ssyncset.done @!p0 $0x0  }
0x167: {  	[sflag:s0] =	ssyncadd.s32 @!p0 s1  }
0x168: {  	[bflag:$0x3] =	sbarrier.arrive $0xFFFF  }
0x169: {  	_ =	shalt  }

</sc_bundles>
